<compile_context>
chip_gen: v7x
topology: tpu7x:2x2x1
jax: 0.10.2.dev20260603
libtpu: 0.0.44.dev20260713+nightly
codegen_flags: <defaults>
</compile_context>

<pallas_src>
import functools

import jax
import jax.numpy as jnp
from jax import lax
from jax.experimental import pallas as pl
from jax.experimental.pallas import tpu as pltpu
from jax.experimental.pallas import tpu_sc as plsc

AXIS = 1_000_000
PAD = 1_048_576
NC, NS = 2, 16
NW = NC * NS
N_IDX = 16384 * 100
IDX_W = N_IDX // NW
DESC_W = 128
N_DESC = IDX_W // DESC_W
SLICE_W = PAD // NS
ZB = 8192
GRP = 16


def _sc_scatter_call(indsp):
    mesh = plsc.VectorSubcoreMesh(core_axis_name="c", subcore_axis_name="s")

    @functools.partial(
        pl.kernel,
        out_type=jax.ShapeDtypeStruct((NC * PAD,), jnp.int32),
        mesh=mesh,
        scratch_types=[
            pltpu.VMEM((ZB,), jnp.int32),
            pltpu.VMEM((DESC_W,), jnp.int32),
            pltpu.VMEM((IDX_W,), jnp.int32),
            pltpu.VMEM_SHARED((PAD,), jnp.int32),
            pltpu.SemaphoreType.DMA,
        ],
    )
    def k(inds_hbm, out_hbm, zbuf, ones_v, idxbuf, seen_sp, sem):
        c = lax.axis_index("c")
        s = lax.axis_index("s")
        w = c * NS + s

        idx_cp = pltpu.async_copy(inds_hbm.at[pl.ds(w * IDX_W, IDX_W)],
                                  idxbuf, sem)

        def zb_body(i, carry):
            for u in range(8):
                zbuf[pl.ds((i * 8 + u) * 16, 16)] = jnp.zeros((16,), jnp.int32)
            return carry
        lax.fori_loop(0, ZB // 128, zb_body, 0)
        for j in range(DESC_W // 16):
            ones_v[pl.ds(j * 16, 16)] = jnp.ones((16,), jnp.int32)

        for j in range(SLICE_W // ZB):
            pltpu.sync_copy(zbuf,
                            seen_sp.at[pl.ds(s * SLICE_W + j * ZB, ZB)])
        idx_cp.wait()
        plsc.subcore_barrier()

        def group_body(g, carry):
            hs = []
            for j in range(GRP):
                row = idxbuf.at[pl.ds((g * GRP + j) * DESC_W, DESC_W)]
                hs.append(pltpu.async_copy(ones_v, seen_sp.at[row], sem))
            for h in hs:
                h.wait()
            return carry
        lax.fori_loop(0, N_DESC // GRP, group_body, 0)
        plsc.subcore_barrier()

        pltpu.sync_copy(seen_sp.at[pl.ds(s * SLICE_W, SLICE_W)],
                        out_hbm.at[pl.ds(c * PAD + s * SLICE_W, SLICE_W)])

    return k(indsp)


def _tc_merge_call(seen2f):
    BLK = 262144
    nblk = PAD // BLK

    def body(xa_ref, xb_ref, seen_ref, cnt_ref):
        i = pl.program_id(0)
        a = xa_ref[...] | xb_ref[...]
        seen_ref[...] = a.astype(jnp.int8)

        @pl.when(i == 0)
        def _():
            cnt_ref[...] = jnp.zeros((1, 1), jnp.int32)

        cnt_ref[...] = cnt_ref[...] + jnp.sum(a)

    return pl.pallas_call(
        body,
        grid=(nblk,),
        in_specs=[
            pl.BlockSpec((BLK,), lambda i: (i,)),
            pl.BlockSpec((BLK,), lambda i: (i + nblk,)),
        ],
        out_specs=[
            pl.BlockSpec((BLK,), lambda i: (i,)),
            pl.BlockSpec((1, 1), lambda i: (0, 0)),
        ],
        out_shape=[
            jax.ShapeDtypeStruct((AXIS,), jnp.int8),
            jax.ShapeDtypeStruct((1, 1), jnp.int32),
        ],
    )(seen2f, seen2f)


def kernel(inds):
    seen2f = _sc_scatter_call(inds.reshape(N_IDX))
    seen_i8, cnt = _tc_merge_call(seen2f)
    seen_b = seen_i8.view(jnp.bool_)
    return seen_b, cnt[0, 0]

# --- scband reference (transcript-rebuilt; emitter-appended) ---
"""Pipeline reference for scband-index-count-unique-23218593202770 (READ-ONLY COPY).

The authoritative reference and input builder live on the scoring server;
editing this copy changes nothing except your own understanding.
"""

import jax, jax.numpy as jnp
import numpy as np

AXIS_SIZE = 1000000

def setup_inputs(seed: int = 0) -> dict:
    key = jax.random.key(seed)
    # indices into the vocab axis; int32 used for portability on CPU jax without x64
    inds = jax.random.randint(key, (16384, 100), 0, AXIS_SIZE, dtype=jnp.int32)
    return {"inds": inds}

def reference(inds):
    # Faithful translation of IndexCountUnique.init + item():
    #   seen = zeros(axis, bool).at[inds.flatten()].set(True)
    #   count = seen.sum()
    seen = jnp.zeros((AXIS_SIZE,), dtype=jnp.bool_).at[inds.flatten()].set(True)
    count = seen.sum()
    return seen, count

if __name__ == "__main__":
    import jax
    _d = setup_inputs()
    print(jax.jit(kernel)(*tuple(_d.values())))

</pallas_src>

<mosaic_0001>
#map = affine_map<(d0, d1) -> (0)>
module attributes {stable_mosaic.version = 14 : i64} {
  func.func @k(%arg0: i32, %arg1: i32, %arg2: memref<1638400xi32, #tpu.memory_space<hbm>>, %arg3: memref<2097152xi32, #tpu.memory_space<hbm>>, %arg4: memref<8192xi32, #tpu.memory_space<vmem>>, %arg5: memref<128xi32, #tpu.memory_space<vmem>>, %arg6: memref<51200xi32, #tpu.memory_space<vmem>>, %arg7: memref<1048576xi32, #tpu.memory_space<vmem_shared>>, %arg8: memref<!tpu.dma_semaphore, #tpu.memory_space<semaphore_mem>>) attributes {dimension_semantics = [#tpu.dimension_semantics<core_parallel>, #tpu.dimension_semantics<subcore_parallel>], iteration_bounds = array<i64: 2, 16>, scalar_prefetch = 0 : i64, scratch_operands = 5 : i64, tpu.core_type = #tpu.core_type<sc_vector_subcore>, window_params = [{transform_indices = #map}, {transform_indices = #map}]} {
    %mul3A = arith.constant 16 : i32
    %mul3A_0 = arith.muli %arg0, %mul3A : i32
    %add3A = arith.addi %mul3A_0, %arg1 : i32
    %mul3A_1 = arith.constant 51200 : i32
    %mul3A_2 = arith.muli %add3A, %mul3A_1 : i32
    %dma_start3A = tpu.memref_slice %arg2[%mul3A_2] : memref<1638400xi32, #tpu.memory_space<hbm>> -> memref<51200xi32, #tpu.memory_space<hbm>>
    %dma_start3A_3 = tpu.memref_slice %arg2[%mul3A_2] : memref<1638400xi32, #tpu.memory_space<hbm>> -> memref<51200xi32, #tpu.memory_space<hbm>>
    tpu.enqueue_dma source(%dma_start3A_3 : memref<51200xi32, #tpu.memory_space<hbm>>) target(%arg6 : memref<51200xi32, #tpu.memory_space<vmem>>) target_semaphore(%arg8 : memref<!tpu.dma_semaphore, #tpu.memory_space<semaphore_mem>>)
    %scan3A = arith.constant 0 : i32
    %scan3A_4 = arith.constant 0 : i32
    %scan3A_5 = arith.constant 64 : i32
    %scan3A_6 = arith.addi %scan3A_4, %scan3A_5 : i32
    %scan3A_7 = arith.constant 1 : i32
    scf.for %scan3A_102 = %scan3A_4 to %scan3A_6 step %scan3A_7  : i32 {
      %broadcast_in_dim3A_103 = arith.constant 0 : i32
      %broadcast_in_dim3A_104 = vector.broadcast %broadcast_in_dim3A_103 : i32 to vector<16xi32>
      %mul3A_105 = arith.constant 8 : i32
      %mul3A_106 = arith.muli %scan3A_102, %mul3A_105 : i32
      %add3A_107 = arith.constant 0 : i32
      %add3A_108 = arith.addi %mul3A_106, %add3A_107 : i32
      %mul3A_109 = arith.constant 16 : i32
      %mul3A_110 = arith.muli %add3A_108, %mul3A_109 : i32
      %swap3A_111 = arith.index_cast %mul3A_110 : i32 to index
      %swap3A_112 = tpu.vector_load %arg4[%swap3A_111] {strides = array<i32>} : memref<8192xi32, #tpu.memory_space<vmem>>, vector<16xi32>,
      %swap3A_113 = vector.shape_cast %swap3A_112 : vector<16xi32> to vector<16xi32>
      %swap3A_114 = vector.shape_cast %broadcast_in_dim3A_104 : vector<16xi32> to vector<16xi32>
      tpu.vector_store %arg4[%swap3A_111], %swap3A_114 {strides = array<i32>} : memref<8192xi32, #tpu.memory_space<vmem>>, vector<16xi32>,
      %broadcast_in_dim3A_115 = arith.constant 0 : i32
      %broadcast_in_dim3A_116 = vector.broadcast %broadcast_in_dim3A_115 : i32 to vector<16xi32>
      %mul3A_117 = arith.constant 8 : i32
      %mul3A_118 = arith.muli %scan3A_102, %mul3A_117 : i32
      %add3A_119 = arith.constant 1 : i32
      %add3A_120 = arith.addi %mul3A_118, %add3A_119 : i32
      %mul3A_121 = arith.constant 16 : i32
      %mul3A_122 = arith.muli %add3A_120, %mul3A_121 : i32
      %swap3A_123 = arith.index_cast %mul3A_122 : i32 to index
      %swap3A_124 = tpu.vector_load %arg4[%swap3A_123] {strides = array<i32>} : memref<8192xi32, #tpu.memory_space<vmem>>, vector<16xi32>,
      %swap3A_125 = vector.shape_cast %swap3A_124 : vector<16xi32> to vector<16xi32>
      %swap3A_126 = vector.shape_cast %broadcast_in_dim3A_116 : vector<16xi32> to vector<16xi32>
      tpu.vector_store %arg4[%swap3A_123], %swap3A_126 {strides = array<i32>} : memref<8192xi32, #tpu.memory_space<vmem>>, vector<16xi32>,
      %broadcast_in_dim3A_127 = arith.constant 0 : i32
      %broadcast_in_dim3A_128 = vector.broadcast %broadcast_in_dim3A_127 : i32 to vector<16xi32>
      %mul3A_129 = arith.constant 8 : i32
      %mul3A_130 = arith.muli %scan3A_102, %mul3A_129 : i32
      %add3A_131 = arith.constant 2 : i32
      %add3A_132 = arith.addi %mul3A_130, %add3A_131 : i32
      %mul3A_133 = arith.constant 16 : i32
      %mul3A_134 = arith.muli %add3A_132, %mul3A_133 : i32
      %swap3A_135 = arith.index_cast %mul3A_134 : i32 to index
      %swap3A_136 = tpu.vector_load %arg4[%swap3A_135] {strides = array<i32>} : memref<8192xi32, #tpu.memory_space<vmem>>, vector<16xi32>,
      %swap3A_137 = vector.shape_cast %swap3A_136 : vector<16xi32> to vector<16xi32>
      %swap3A_138 = vector.shape_cast %broadcast_in_dim3A_128 : vector<16xi32> to vector<16xi32>
      tpu.vector_store %arg4[%swap3A_135], %swap3A_138 {strides = array<i32>} : memref<8192xi32, #tpu.memory_space<vmem>>, vector<16xi32>,
      %broadcast_in_dim3A_139 = arith.constant 0 : i32
      %broadcast_in_dim3A_140 = vector.broadcast %broadcast_in_dim3A_139 : i32 to vector<16xi32>
      %mul3A_141 = arith.constant 8 : i32
      %mul3A_142 = arith.muli %scan3A_102, %mul3A_141 : i32
      %add3A_143 = arith.constant 3 : i32
      %add3A_144 = arith.addi %mul3A_142, %add3A_143 : i32
      %mul3A_145 = arith.constant 16 : i32
      %mul3A_146 = arith.muli %add3A_144, %mul3A_145 : i32
      %swap3A_147 = arith.index_cast %mul3A_146 : i32 to index
      %swap3A_148 = tpu.vector_load %arg4[%swap3A_147] {strides = array<i32>} : memref<8192xi32, #tpu.memory_space<vmem>>, vector<16xi32>,
      %swap3A_149 = vector.shape_cast %swap3A_148 : vector<16xi32> to vector<16xi32>
      %swap3A_150 = vector.shape_cast %broadcast_in_dim3A_140 : vector<16xi32> to vector<16xi32>
      tpu.vector_store %arg4[%swap3A_147], %swap3A_150 {strides = array<i32>} : memref<8192xi32, #tpu.memory_space<vmem>>, vector<16xi32>,
      %broadcast_in_dim3A_151 = arith.constant 0 : i32
      %broadcast_in_dim3A_152 = vector.broadcast %broadcast_in_dim3A_151 : i32 to vector<16xi32>
      %mul3A_153 = arith.constant 8 : i32
      %mul3A_154 = arith.muli %scan3A_102, %mul3A_153 : i32
      %add3A_155 = arith.constant 4 : i32
      %add3A_156 = arith.addi %mul3A_154, %add3A_155 : i32
      %mul3A_157 = arith.constant 16 : i32
      %mul3A_158 = arith.muli %add3A_156, %mul3A_157 : i32
      %swap3A_159 = arith.index_cast %mul3A_158 : i32 to index
      %swap3A_160 = tpu.vector_load %arg4[%swap3A_159] {strides = array<i32>} : memref<8192xi32, #tpu.memory_space<vmem>>, vector<16xi32>,
      %swap3A_161 = vector.shape_cast %swap3A_160 : vector<16xi32> to vector<16xi32>
      %swap3A_162 = vector.shape_cast %broadcast_in_dim3A_152 : vector<16xi32> to vector<16xi32>
      tpu.vector_store %arg4[%swap3A_159], %swap3A_162 {strides = array<i32>} : memref<8192xi32, #tpu.memory_space<vmem>>, vector<16xi32>,
      %broadcast_in_dim3A_163 = arith.constant 0 : i32
      %broadcast_in_dim3A_164 = vector.broadcast %broadcast_in_dim3A_163 : i32 to vector<16xi32>
      %mul3A_165 = arith.constant 8 : i32
      %mul3A_166 = arith.muli %scan3A_102, %mul3A_165 : i32
      %add3A_167 = arith.constant 5 : i32
      %add3A_168 = arith.addi %mul3A_166, %add3A_167 : i32
      %mul3A_169 = arith.constant 16 : i32
      %mul3A_170 = arith.muli %add3A_168, %mul3A_169 : i32
      %swap3A_171 = arith.index_cast %mul3A_170 : i32 to index
      %swap3A_172 = tpu.vector_load %arg4[%swap3A_171] {strides = array<i32>} : memref<8192xi32, #tpu.memory_space<vmem>>, vector<16xi32>,
      %swap3A_173 = vector.shape_cast %swap3A_172 : vector<16xi32> to vector<16xi32>
      %swap3A_174 = vector.shape_cast %broadcast_in_dim3A_164 : vector<16xi32> to vector<16xi32>
      tpu.vector_store %arg4[%swap3A_171], %swap3A_174 {strides = array<i32>} : memref<8192xi32, #tpu.memory_space<vmem>>, vector<16xi32>,
      %broadcast_in_dim3A_175 = arith.constant 0 : i32
      %broadcast_in_dim3A_176 = vector.broadcast %broadcast_in_dim3A_175 : i32 to vector<16xi32>
      %mul3A_177 = arith.constant 8 : i32
      %mul3A_178 = arith.muli %scan3A_102, %mul3A_177 : i32
      %add3A_179 = arith.constant 6 : i32
      %add3A_180 = arith.addi %mul3A_178, %add3A_179 : i32
      %mul3A_181 = arith.constant 16 : i32
      %mul3A_182 = arith.muli %add3A_180, %mul3A_181 : i32
      %swap3A_183 = arith.index_cast %mul3A_182 : i32 to index
      %swap3A_184 = tpu.vector_load %arg4[%swap3A_183] {strides = array<i32>} : memref<8192xi32, #tpu.memory_space<vmem>>, vector<16xi32>,
      %swap3A_185 = vector.shape_cast %swap3A_184 : vector<16xi32> to vector<16xi32>
      %swap3A_186 = vector.shape_cast %broadcast_in_dim3A_176 : vector<16xi32> to vector<16xi32>
      tpu.vector_store %arg4[%swap3A_183], %swap3A_186 {strides = array<i32>} : memref<8192xi32, #tpu.memory_space<vmem>>, vector<16xi32>,
      %broadcast_in_dim3A_187 = arith.constant 0 : i32
      %broadcast_in_dim3A_188 = vector.broadcast %broadcast_in_dim3A_187 : i32 to vector<16xi32>
      %mul3A_189 = arith.constant 8 : i32
      %mul3A_190 = arith.muli %scan3A_102, %mul3A_189 : i32
      %add3A_191 = arith.constant 7 : i32
      %add3A_192 = arith.addi %mul3A_190, %add3A_191 : i32
      %mul3A_193 = arith.constant 16 : i32
      %mul3A_194 = arith.muli %add3A_192, %mul3A_193 : i32
      %swap3A_195 = arith.index_cast %mul3A_194 : i32 to index
      %swap3A_196 = tpu.vector_load %arg4[%swap3A_195] {strides = array<i32>} : memref<8192xi32, #tpu.memory_space<vmem>>, vector<16xi32>,
      %swap3A_197 = vector.shape_cast %swap3A_196 : vector<16xi32> to vector<16xi32>
      %swap3A_198 = vector.shape_cast %broadcast_in_dim3A_188 : vector<16xi32> to vector<16xi32>
      tpu.vector_store %arg4[%swap3A_195], %swap3A_198 {strides = array<i32>} : memref<8192xi32, #tpu.memory_space<vmem>>, vector<16xi32>,
    }
    %scan3A_8 = arith.constant 64 : i32
    %broadcast_in_dim3A = arith.constant 1 : i32
    %broadcast_in_dim3A_9 = vector.broadcast %broadcast_in_dim3A : i32 to vector<16xi32>
    %swap3A = arith.constant 0 : index
    %swap3A_10 = tpu.vector_load %arg5[%swap3A] {strides = array<i32>} : memref<128xi32, #tpu.memory_space<vmem>>, vector<16xi32>,
    %swap3A_11 = vector.shape_cast %swap3A_10 : vector<16xi32> to vector<16xi32>
    %swap3A_12 = vector.shape_cast %broadcast_in_dim3A_9 : vector<16xi32> to vector<16xi32>
    tpu.vector_store %arg5[%swap3A], %swap3A_12 {strides = array<i32>} : memref<128xi32, #tpu.memory_space<vmem>>, vector<16xi32>,
    %broadcast_in_dim3A_13 = arith.constant 1 : i32
    %broadcast_in_dim3A_14 = vector.broadcast %broadcast_in_dim3A_13 : i32 to vector<16xi32>
    %swap3A_15 = arith.constant 16 : index
    %swap3A_16 = tpu.vector_load %arg5[%swap3A_15] {strides = array<i32>} : memref<128xi32, #tpu.memory_space<vmem>>, vector<16xi32>,
    %swap3A_17 = vector.shape_cast %swap3A_16 : vector<16xi32> to vector<16xi32>
    %swap3A_18 = vector.shape_cast %broadcast_in_dim3A_14 : vector<16xi32> to vector<16xi32>
    tpu.vector_store %arg5[%swap3A_15], %swap3A_18 {strides = array<i32>} : memref<128xi32, #tpu.memory_space<vmem>>, vector<16xi32>,
    %broadcast_in_dim3A_19 = arith.constant 1 : i32
    %broadcast_in_dim3A_20 = vector.broadcast %broadcast_in_dim3A_19 : i32 to vector<16xi32>
    %swap3A_21 = arith.constant 32 : index
    %swap3A_22 = tpu.vector_load %arg5[%swap3A_21] {strides = array<i32>} : memref<128xi32, #tpu.memory_space<vmem>>, vector<16xi32>,
    %swap3A_23 = vector.shape_cast %swap3A_22 : vector<16xi32> to vector<16xi32>
    %swap3A_24 = vector.shape_cast %broadcast_in_dim3A_20 : vector<16xi32> to vector<16xi32>
    tpu.vector_store %arg5[%swap3A_21], %swap3A_24 {strides = array<i32>} : memref<128xi32, #tpu.memory_space<vmem>>, vector<16xi32>,
    %broadcast_in_dim3A_25 = arith.constant 1 : i32
    %broadcast_in_dim3A_26 = vector.broadcast %broadcast_in_dim3A_25 : i32 to vector<16xi32>
    %swap3A_27 = arith.constant 48 : index
    %swap3A_28 = tpu.vector_load %arg5[%swap3A_27] {strides = array<i32>} : memref<128xi32, #tpu.memory_space<vmem>>, vector<16xi32>,
    %swap3A_29 = vector.shape_cast %swap3A_28 : vector<16xi32> to vector<16xi32>
    %swap3A_30 = vector.shape_cast %broadcast_in_dim3A_26 : vector<16xi32> to vector<16xi32>
    tpu.vector_store %arg5[%swap3A_27], %swap3A_30 {strides = array<i32>} : memref<128xi32, #tpu.memory_space<vmem>>, vector<16xi32>,
    %broadcast_in_dim3A_31 = arith.constant 1 : i32
    %broadcast_in_dim3A_32 = vector.broadcast %broadcast_in_dim3A_31 : i32 to vector<16xi32>
    %swap3A_33 = arith.constant 64 : index
    %swap3A_34 = tpu.vector_load %arg5[%swap3A_33] {strides = array<i32>} : memref<128xi32, #tpu.memory_space<vmem>>, vector<16xi32>,
    %swap3A_35 = vector.shape_cast %swap3A_34 : vector<16xi32> to vector<16xi32>
    %swap3A_36 = vector.shape_cast %broadcast_in_dim3A_32 : vector<16xi32> to vector<16xi32>
    tpu.vector_store %arg5[%swap3A_33], %swap3A_36 {strides = array<i32>} : memref<128xi32, #tpu.memory_space<vmem>>, vector<16xi32>,
    %broadcast_in_dim3A_37 = arith.constant 1 : i32
    %broadcast_in_dim3A_38 = vector.broadcast %broadcast_in_dim3A_37 : i32 to vector<16xi32>
    %swap3A_39 = arith.constant 80 : index
    %swap3A_40 = tpu.vector_load %arg5[%swap3A_39] {strides = array<i32>} : memref<128xi32, #tpu.memory_space<vmem>>, vector<16xi32>,
    %swap3A_41 = vector.shape_cast %swap3A_40 : vector<16xi32> to vector<16xi32>
    %swap3A_42 = vector.shape_cast %broadcast_in_dim3A_38 : vector<16xi32> to vector<16xi32>
    tpu.vector_store %arg5[%swap3A_39], %swap3A_42 {strides = array<i32>} : memref<128xi32, #tpu.memory_space<vmem>>, vector<16xi32>,
    %broadcast_in_dim3A_43 = arith.constant 1 : i32
    %broadcast_in_dim3A_44 = vector.broadcast %broadcast_in_dim3A_43 : i32 to vector<16xi32>
    %swap3A_45 = arith.constant 96 : index
    %swap3A_46 = tpu.vector_load %arg5[%swap3A_45] {strides = array<i32>} : memref<128xi32, #tpu.memory_space<vmem>>, vector<16xi32>,
    %swap3A_47 = vector.shape_cast %swap3A_46 : vector<16xi32> to vector<16xi32>
    %swap3A_48 = vector.shape_cast %broadcast_in_dim3A_44 : vector<16xi32> to vector<16xi32>
    tpu.vector_store %arg5[%swap3A_45], %swap3A_48 {strides = array<i32>} : memref<128xi32, #tpu.memory_space<vmem>>, vector<16xi32>,
    %broadcast_in_dim3A_49 = arith.constant 1 : i32
    %broadcast_in_dim3A_50 = vector.broadcast %broadcast_in_dim3A_49 : i32 to vector<16xi32>
    %swap3A_51 = arith.constant 112 : index
    %swap3A_52 = tpu.vector_load %arg5[%swap3A_51] {strides = array<i32>} : memref<128xi32, #tpu.memory_space<vmem>>, vector<16xi32>,
    %swap3A_53 = vector.shape_cast %swap3A_52 : vector<16xi32> to vector<16xi32>
    %swap3A_54 = vector.shape_cast %broadcast_in_dim3A_50 : vector<16xi32> to vector<16xi32>
    tpu.vector_store %arg5[%swap3A_51], %swap3A_54 {strides = array<i32>} : memref<128xi32, #tpu.memory_space<vmem>>, vector<16xi32>,
    %mul3A_55 = arith.constant 65536 : i32
    %mul3A_56 = arith.muli %arg1, %mul3A_55 : i32
    %add3A_57 = arith.constant 0 : i32
    %add3A_58 = arith.addi %mul3A_56, %add3A_57 : i32
    "tpu.region"() ({
      %run_scoped3A = tpu.sem_alloc : memref<!tpu.dma_semaphore, #tpu.memory_space<semaphore_mem>>
      %dma_start3A_102 = tpu.memref_slice %arg7[%add3A_58] : memref<1048576xi32, #tpu.memory_space<vmem_shared>> -> memref<8192xi32, #tpu.memory_space<vmem_shared>>
      %dma_start3A_103 = tpu.memref_slice %arg7[%add3A_58] : memref<1048576xi32, #tpu.memory_space<vmem_shared>> -> memref<8192xi32, #tpu.memory_space<vmem_shared>>
      tpu.enqueue_dma source(%arg4 : memref<8192xi32, #tpu.memory_space<vmem>>) target(%dma_start3A_103 : memref<8192xi32, #tpu.memory_space<vmem_shared>>) target_semaphore(%run_scoped3A : memref<!tpu.dma_semaphore, #tpu.memory_space<semaphore_mem>>)
      %dma_wait3A_104 = tpu.memref_slice %arg7[%add3A_58] : memref<1048576xi32, #tpu.memory_space<vmem_shared>> -> memref<8192xi32, #tpu.memory_space<vmem_shared>>
      %dma_wait3A_105 = tpu.memref_slice %arg7[%add3A_58] : memref<1048576xi32, #tpu.memory_space<vmem_shared>> -> memref<8192xi32, #tpu.memory_space<vmem_shared>>
      tpu.wait_dma2 semaphore(%run_scoped3A : memref<!tpu.dma_semaphore, #tpu.memory_space<semaphore_mem>>) src(%arg4 : memref<8192xi32, #tpu.memory_space<vmem>>) dst(%dma_wait3A_105 : memref<8192xi32, #tpu.memory_space<vmem_shared>>)
      tpu.yield
    }) : () -> ()
    %mul3A_59 = arith.constant 65536 : i32
    %mul3A_60 = arith.muli %arg1, %mul3A_59 : i32
    %add3A_61 = arith.constant 8192 : i32
    %add3A_62 = arith.addi %mul3A_60, %add3A_61 : i32
    "tpu.region"() ({
      %run_scoped3A = tpu.sem_alloc : memref<!tpu.dma_semaphore, #tpu.memory_space<semaphore_mem>>
      %dma_start3A_102 = tpu.memref_slice %arg7[%add3A_62] : memref<1048576xi32, #tpu.memory_space<vmem_shared>> -> memref<8192xi32, #tpu.memory_space<vmem_shared>>
      %dma_start3A_103 = tpu.memref_slice %arg7[%add3A_62] : memref<1048576xi32, #tpu.memory_space<vmem_shared>> -> memref<8192xi32, #tpu.memory_space<vmem_shared>>
      tpu.enqueue_dma source(%arg4 : memref<8192xi32, #tpu.memory_space<vmem>>) target(%dma_start3A_103 : memref<8192xi32, #tpu.memory_space<vmem_shared>>) target_semaphore(%run_scoped3A : memref<!tpu.dma_semaphore, #tpu.memory_space<semaphore_mem>>)
      %dma_wait3A_104 = tpu.memref_slice %arg7[%add3A_62] : memref<1048576xi32, #tpu.memory_space<vmem_shared>> -> memref<8192xi32, #tpu.memory_space<vmem_shared>>
      %dma_wait3A_105 = tpu.memref_slice %arg7[%add3A_62] : memref<1048576xi32, #tpu.memory_space<vmem_shared>> -> memref<8192xi32, #tpu.memory_space<vmem_shared>>
      tpu.wait_dma2 semaphore(%run_scoped3A : memref<!tpu.dma_semaphore, #tpu.memory_space<semaphore_mem>>) src(%arg4 : memref<8192xi32, #tpu.memory_space<vmem>>) dst(%dma_wait3A_105 : memref<8192xi32, #tpu.memory_space<vmem_shared>>)
      tpu.yield
    }) : () -> ()
    %mul3A_63 = arith.constant 65536 : i32
    %mul3A_64 = arith.muli %arg1, %mul3A_63 : i32
    %add3A_65 = arith.constant 16384 : i32
    %add3A_66 = arith.addi %mul3A_64, %add3A_65 : i32
    "tpu.region"() ({
      %run_scoped3A = tpu.sem_alloc : memref<!tpu.dma_semaphore, #tpu.memory_space<semaphore_mem>>
      %dma_start3A_102 = tpu.memref_slice %arg7[%add3A_66] : memref<1048576xi32, #tpu.memory_space<vmem_shared>> -> memref<8192xi32, #tpu.memory_space<vmem_shared>>
      %dma_start3A_103 = tpu.memref_slice %arg7[%add3A_66] : memref<1048576xi32, #tpu.memory_space<vmem_shared>> -> memref<8192xi32, #tpu.memory_space<vmem_shared>>
      tpu.enqueue_dma source(%arg4 : memref<8192xi32, #tpu.memory_space<vmem>>) target(%dma_start3A_103 : memref<8192xi32, #tpu.memory_space<vmem_shared>>) target_semaphore(%run_scoped3A : memref<!tpu.dma_semaphore, #tpu.memory_space<semaphore_mem>>)
      %dma_wait3A_104 = tpu.memref_slice %arg7[%add3A_66] : memref<1048576xi32, #tpu.memory_space<vmem_shared>> -> memref<8192xi32, #tpu.memory_space<vmem_shared>>
      %dma_wait3A_105 = tpu.memref_slice %arg7[%add3A_66] : memref<1048576xi32, #tpu.memory_space<vmem_shared>> -> memref<8192xi32, #tpu.memory_space<vmem_shared>>
      tpu.wait_dma2 semaphore(%run_scoped3A : memref<!tpu.dma_semaphore, #tpu.memory_space<semaphore_mem>>) src(%arg4 : memref<8192xi32, #tpu.memory_space<vmem>>) dst(%dma_wait3A_105 : memref<8192xi32, #tpu.memory_space<vmem_shared>>)
      tpu.yield
    }) : () -> ()
    %mul3A_67 = arith.constant 65536 : i32
    %mul3A_68 = arith.muli %arg1, %mul3A_67 : i32
    %add3A_69 = arith.constant 24576 : i32
    %add3A_70 = arith.addi %mul3A_68, %add3A_69 : i32
    "tpu.region"() ({
      %run_scoped3A = tpu.sem_alloc : memref<!tpu.dma_semaphore, #tpu.memory_space<semaphore_mem>>
      %dma_start3A_102 = tpu.memref_slice %arg7[%add3A_70] : memref<1048576xi32, #tpu.memory_space<vmem_shared>> -> memref<8192xi32, #tpu.memory_space<vmem_shared>>
      %dma_start3A_103 = tpu.memref_slice %arg7[%add3A_70] : memref<1048576xi32, #tpu.memory_space<vmem_shared>> -> memref<8192xi32, #tpu.memory_space<vmem_shared>>
      tpu.enqueue_dma source(%arg4 : memref<8192xi32, #tpu.memory_space<vmem>>) target(%dma_start3A_103 : memref<8192xi32, #tpu.memory_space<vmem_shared>>) target_semaphore(%run_scoped3A : memref<!tpu.dma_semaphore, #tpu.memory_space<semaphore_mem>>)
      %dma_wait3A_104 = tpu.memref_slice %arg7[%add3A_70] : memref<1048576xi32, #tpu.memory_space<vmem_shared>> -> memref<8192xi32, #tpu.memory_space<vmem_shared>>
      %dma_wait3A_105 = tpu.memref_slice %arg7[%add3A_70] : memref<1048576xi32, #tpu.memory_space<vmem_shared>> -> memref<8192xi32, #tpu.memory_space<vmem_shared>>
      tpu.wait_dma2 semaphore(%run_scoped3A : memref<!tpu.dma_semaphore, #tpu.memory_space<semaphore_mem>>) src(%arg4 : memref<8192xi32, #tpu.memory_space<vmem>>) dst(%dma_wait3A_105 : memref<8192xi32, #tpu.memory_space<vmem_shared>>)
      tpu.yield
    }) : () -> ()
    %mul3A_71 = arith.constant 65536 : i32
    %mul3A_72 = arith.muli %arg1, %mul3A_71 : i32
    %add3A_73 = arith.constant 32768 : i32
    %add3A_74 = arith.addi %mul3A_72, %add3A_73 : i32
    "tpu.region"() ({
      %run_scoped3A = tpu.sem_alloc : memref<!tpu.dma_semaphore, #tpu.memory_space<semaphore_mem>>
      %dma_start3A_102 = tpu.memref_slice %arg7[%add3A_74] : memref<1048576xi32, #tpu.memory_space<vmem_shared>> -> memref<8192xi32, #tpu.memory_space<vmem_shared>>
      %dma_start3A_103 = tpu.memref_slice %arg7[%add3A_74] : memref<1048576xi32, #tpu.memory_space<vmem_shared>> -> memref<8192xi32, #tpu.memory_space<vmem_shared>>
      tpu.enqueue_dma source(%arg4 : memref<8192xi32, #tpu.memory_space<vmem>>) target(%dma_start3A_103 : memref<8192xi32, #tpu.memory_space<vmem_shared>>) target_semaphore(%run_scoped3A : memref<!tpu.dma_semaphore, #tpu.memory_space<semaphore_mem>>)
      %dma_wait3A_104 = tpu.memref_slice %arg7[%add3A_74] : memref<1048576xi32, #tpu.memory_space<vmem_shared>> -> memref<8192xi32, #tpu.memory_space<vmem_shared>>
      %dma_wait3A_105 = tpu.memref_slice %arg7[%add3A_74] : memref<1048576xi32, #tpu.memory_space<vmem_shared>> -> memref<8192xi32, #tpu.memory_space<vmem_shared>>
      tpu.wait_dma2 semaphore(%run_scoped3A : memref<!tpu.dma_semaphore, #tpu.memory_space<semaphore_mem>>) src(%arg4 : memref<8192xi32, #tpu.memory_space<vmem>>) dst(%dma_wait3A_105 : memref<8192xi32, #tpu.memory_space<vmem_shared>>)
      tpu.yield
    }) : () -> ()
    %mul3A_75 = arith.constant 65536 : i32
    %mul3A_76 = arith.muli %arg1, %mul3A_75 : i32
    %add3A_77 = arith.constant 40960 : i32
    %add3A_78 = arith.addi %mul3A_76, %add3A_77 : i32
    "tpu.region"() ({
      %run_scoped3A = tpu.sem_alloc : memref<!tpu.dma_semaphore, #tpu.memory_space<semaphore_mem>>
      %dma_start3A_102 = tpu.memref_slice %arg7[%add3A_78] : memref<1048576xi32, #tpu.memory_space<vmem_shared>> -> memref<8192xi32, #tpu.memory_space<vmem_shared>>
      %dma_start3A_103 = tpu.memref_slice %arg7[%add3A_78] : memref<1048576xi32, #tpu.memory_space<vmem_shared>> -> memref<8192xi32, #tpu.memory_space<vmem_shared>>
      tpu.enqueue_dma source(%arg4 : memref<8192xi32, #tpu.memory_space<vmem>>) target(%dma_start3A_103 : memref<8192xi32, #tpu.memory_space<vmem_shared>>) target_semaphore(%run_scoped3A : memref<!tpu.dma_semaphore, #tpu.memory_space<semaphore_mem>>)
      %dma_wait3A_104 = tpu.memref_slice %arg7[%add3A_78] : memref<1048576xi32, #tpu.memory_space<vmem_shared>> -> memref<8192xi32, #tpu.memory_space<vmem_shared>>
      %dma_wait3A_105 = tpu.memref_slice %arg7[%add3A_78] : memref<1048576xi32, #tpu.memory_space<vmem_shared>> -> memref<8192xi32, #tpu.memory_space<vmem_shared>>
      tpu.wait_dma2 semaphore(%run_scoped3A : memref<!tpu.dma_semaphore, #tpu.memory_space<semaphore_mem>>) src(%arg4 : memref<8192xi32, #tpu.memory_space<vmem>>) dst(%dma_wait3A_105 : memref<8192xi32, #tpu.memory_space<vmem_shared>>)
      tpu.yield
    }) : () -> ()
    %mul3A_79 = arith.constant 65536 : i32
    %mul3A_80 = arith.muli %arg1, %mul3A_79 : i32
    %add3A_81 = arith.constant 49152 : i32
    %add3A_82 = arith.addi %mul3A_80, %add3A_81 : i32
    "tpu.region"() ({
      %run_scoped3A = tpu.sem_alloc : memref<!tpu.dma_semaphore, #tpu.memory_space<semaphore_mem>>
      %dma_start3A_102 = tpu.memref_slice %arg7[%add3A_82] : memref<1048576xi32, #tpu.memory_space<vmem_shared>> -> memref<8192xi32, #tpu.memory_space<vmem_shared>>
      %dma_start3A_103 = tpu.memref_slice %arg7[%add3A_82] : memref<1048576xi32, #tpu.memory_space<vmem_shared>> -> memref<8192xi32, #tpu.memory_space<vmem_shared>>
      tpu.enqueue_dma source(%arg4 : memref<8192xi32, #tpu.memory_space<vmem>>) target(%dma_start3A_103 : memref<8192xi32, #tpu.memory_space<vmem_shared>>) target_semaphore(%run_scoped3A : memref<!tpu.dma_semaphore, #tpu.memory_space<semaphore_mem>>)
      %dma_wait3A_104 = tpu.memref_slice %arg7[%add3A_82] : memref<1048576xi32, #tpu.memory_space<vmem_shared>> -> memref<8192xi32, #tpu.memory_space<vmem_shared>>
      %dma_wait3A_105 = tpu.memref_slice %arg7[%add3A_82] : memref<1048576xi32, #tpu.memory_space<vmem_shared>> -> memref<8192xi32, #tpu.memory_space<vmem_shared>>
      tpu.wait_dma2 semaphore(%run_scoped3A : memref<!tpu.dma_semaphore, #tpu.memory_space<semaphore_mem>>) src(%arg4 : memref<8192xi32, #tpu.memory_space<vmem>>) dst(%dma_wait3A_105 : memref<8192xi32, #tpu.memory_space<vmem_shared>>)
      tpu.yield
    }) : () -> ()
    %mul3A_83 = arith.constant 65536 : i32
    %mul3A_84 = arith.muli %arg1, %mul3A_83 : i32
    %add3A_85 = arith.constant 57344 : i32
    %add3A_86 = arith.addi %mul3A_84, %add3A_85 : i32
    "tpu.region"() ({
      %run_scoped3A = tpu.sem_alloc : memref<!tpu.dma_semaphore, #tpu.memory_space<semaphore_mem>>
      %dma_start3A_102 = tpu.memref_slice %arg7[%add3A_86] : memref<1048576xi32, #tpu.memory_space<vmem_shared>> -> memref<8192xi32, #tpu.memory_space<vmem_shared>>
      %dma_start3A_103 = tpu.memref_slice %arg7[%add3A_86] : memref<1048576xi32, #tpu.memory_space<vmem_shared>> -> memref<8192xi32, #tpu.memory_space<vmem_shared>>
      tpu.enqueue_dma source(%arg4 : memref<8192xi32, #tpu.memory_space<vmem>>) target(%dma_start3A_103 : memref<8192xi32, #tpu.memory_space<vmem_shared>>) target_semaphore(%run_scoped3A : memref<!tpu.dma_semaphore, #tpu.memory_space<semaphore_mem>>)
      %dma_wait3A_104 = tpu.memref_slice %arg7[%add3A_86] : memref<1048576xi32, #tpu.memory_space<vmem_shared>> -> memref<8192xi32, #tpu.memory_space<vmem_shared>>
      %dma_wait3A_105 = tpu.memref_slice %arg7[%add3A_86] : memref<1048576xi32, #tpu.memory_space<vmem_shared>> -> memref<8192xi32, #tpu.memory_space<vmem_shared>>
      tpu.wait_dma2 semaphore(%run_scoped3A : memref<!tpu.dma_semaphore, #tpu.memory_space<semaphore_mem>>) src(%arg4 : memref<8192xi32, #tpu.memory_space<vmem>>) dst(%dma_wait3A_105 : memref<8192xi32, #tpu.memory_space<vmem_shared>>)
      tpu.yield
    }) : () -> ()
    %dma_wait3A = tpu.memref_slice %arg2[%mul3A_2] : memref<1638400xi32, #tpu.memory_space<hbm>> -> memref<51200xi32, #tpu.memory_space<hbm>>
    %dma_wait3A_87 = tpu.memref_slice %arg2[%mul3A_2] : memref<1638400xi32, #tpu.memory_space<hbm>> -> memref<51200xi32, #tpu.memory_space<hbm>>
    tpu.wait_dma2 semaphore(%arg8 : memref<!tpu.dma_semaphore, #tpu.memory_space<semaphore_mem>>) src(%dma_wait3A_87 : memref<51200xi32, #tpu.memory_space<hbm>>) dst(%arg6 : memref<51200xi32, #tpu.memory_space<vmem>>)
    %barrier3A = arith.constant 0 : index
    tpu.barrier barrier_id(%barrier3A)
    %scan3A_88 = arith.constant 0 : i32
    %scan3A_89 = arith.constant 0 : i32
    %scan3A_90 = arith.constant 25 : i32
    %scan3A_91 = arith.addi %scan3A_89, %scan3A_90 : i32
    %scan3A_92 = arith.constant 1 : i32
    scf.for %scan3A_102 = %scan3A_89 to %scan3A_91 step %scan3A_92  : i32 {
      %mul3A_103 = arith.constant 16 : i32
      %mul3A_104 = arith.muli %scan3A_102, %mul3A_103 : i32
      %add3A_105 = arith.constant 0 : i32
      %add3A_106 = arith.addi %mul3A_104, %add3A_105 : i32
      %mul3A_107 = arith.constant 128 : i32
      %mul3A_108 = arith.muli %add3A_106, %mul3A_107 : i32
      %dma_start3A_109 = tpu.memref_slice %arg6[%mul3A_108] : memref<51200xi32, #tpu.memory_space<vmem>> -> memref<128xi32, #tpu.memory_space<vmem>>
      %dma_start3A_110 = arith.constant 0 : i32
      %dma_start3A_111 = tpu.memref_slice %arg7[%dma_start3A_110] : memref<1048576xi32, #tpu.memory_space<vmem_shared>> -> memref<1048576xi32, #tpu.memory_space<vmem_shared>>
      tpu.enqueue_indirect_dma source(%arg5 : memref<128xi32, #tpu.memory_space<vmem>>) target(%dma_start3A_111 : memref<1048576xi32, #tpu.memory_space<vmem_shared>>) offsets(%dma_start3A_109 : memref<128xi32, #tpu.memory_space<vmem>>) semaphore(%arg8 : memref<!tpu.dma_semaphore, #tpu.memory_space<semaphore_mem>>)
      %mul3A_112 = arith.constant 16 : i32
      %mul3A_113 = arith.muli %scan3A_102, %mul3A_112 : i32
      %add3A_114 = arith.constant 1 : i32
      %add3A_115 = arith.addi %mul3A_113, %add3A_114 : i32
      %mul3A_116 = arith.constant 128 : i32
      %mul3A_117 = arith.muli %add3A_115, %mul3A_116 : i32
      %dma_start3A_118 = tpu.memref_slice %arg6[%mul3A_117] : memref<51200xi32, #tpu.memory_space<vmem>> -> memref<128xi32, #tpu.memory_space<vmem>>
      %dma_start3A_119 = arith.constant 0 : i32
      %dma_start3A_120 = tpu.memref_slice %arg7[%dma_start3A_119] : memref<1048576xi32, #tpu.memory_space<vmem_shared>> -> memref<1048576xi32, #tpu.memory_space<vmem_shared>>
      tpu.enqueue_indirect_dma source(%arg5 : memref<128xi32, #tpu.memory_space<vmem>>) target(%dma_start3A_120 : memref<1048576xi32, #tpu.memory_space<vmem_shared>>) offsets(%dma_start3A_118 : memref<128xi32, #tpu.memory_space<vmem>>) semaphore(%arg8 : memref<!tpu.dma_semaphore, #tpu.memory_space<semaphore_mem>>)
      %mul3A_121 = arith.constant 16 : i32
      %mul3A_122 = arith.muli %scan3A_102, %mul3A_121 : i32
      %add3A_123 = arith.constant 2 : i32
      %add3A_124 = arith.addi %mul3A_122, %add3A_123 : i32
      %mul3A_125 = arith.constant 128 : i32
      %mul3A_126 = arith.muli %add3A_124, %mul3A_125 : i32
      %dma_start3A_127 = tpu.memref_slice %arg6[%mul3A_126] : memref<51200xi32, #tpu.memory_space<vmem>> -> memref<128xi32, #tpu.memory_space<vmem>>
      %dma_start3A_128 = arith.constant 0 : i32
      %dma_start3A_129 = tpu.memref_slice %arg7[%dma_start3A_128] : memref<1048576xi32, #tpu.memory_space<vmem_shared>> -> memref<1048576xi32, #tpu.memory_space<vmem_shared>>
      tpu.enqueue_indirect_dma source(%arg5 : memref<128xi32, #tpu.memory_space<vmem>>) target(%dma_start3A_129 : memref<1048576xi32, #tpu.memory_space<vmem_shared>>) offsets(%dma_start3A_127 : memref<128xi32, #tpu.memory_space<vmem>>) semaphore(%arg8 : memref<!tpu.dma_semaphore, #tpu.memory_space<semaphore_mem>>)
      %mul3A_130 = arith.constant 16 : i32
      %mul3A_131 = arith.muli %scan3A_102, %mul3A_130 : i32
      %add3A_132 = arith.constant 3 : i32
      %add3A_133 = arith.addi %mul3A_131, %add3A_132 : i32
      %mul3A_134 = arith.constant 128 : i32
      %mul3A_135 = arith.muli %add3A_133, %mul3A_134 : i32
      %dma_start3A_136 = tpu.memref_slice %arg6[%mul3A_135] : memref<51200xi32, #tpu.memory_space<vmem>> -> memref<128xi32, #tpu.memory_space<vmem>>
      %dma_start3A_137 = arith.constant 0 : i32
      %dma_start3A_138 = tpu.memref_slice %arg7[%dma_start3A_137] : memref<1048576xi32, #tpu.memory_space<vmem_shared>> -> memref<1048576xi32, #tpu.memory_space<vmem_shared>>
      tpu.enqueue_indirect_dma source(%arg5 : memref<128xi32, #tpu.memory_space<vmem>>) target(%dma_start3A_138 : memref<1048576xi32, #tpu.memory_space<vmem_shared>>) offsets(%dma_start3A_136 : memref<128xi32, #tpu.memory_space<vmem>>) semaphore(%arg8 : memref<!tpu.dma_semaphore, #tpu.memory_space<semaphore_mem>>)
      %mul3A_139 = arith.constant 16 : i32
      %mul3A_140 = arith.muli %scan3A_102, %mul3A_139 : i32
      %add3A_141 = arith.constant 4 : i32
      %add3A_142 = arith.addi %mul3A_140, %add3A_141 : i32
      %mul3A_143 = arith.constant 128 : i32
      %mul3A_144 = arith.muli %add3A_142, %mul3A_143 : i32
      %dma_start3A_145 = tpu.memref_slice %arg6[%mul3A_144] : memref<51200xi32, #tpu.memory_space<vmem>> -> memref<128xi32, #tpu.memory_space<vmem>>
      %dma_start3A_146 = arith.constant 0 : i32
      %dma_start3A_147 = tpu.memref_slice %arg7[%dma_start3A_146] : memref<1048576xi32, #tpu.memory_space<vmem_shared>> -> memref<1048576xi32, #tpu.memory_space<vmem_shared>>
      tpu.enqueue_indirect_dma source(%arg5 : memref<128xi32, #tpu.memory_space<vmem>>) target(%dma_start3A_147 : memref<1048576xi32, #tpu.memory_space<vmem_shared>>) offsets(%dma_start3A_145 : memref<128xi32, #tpu.memory_space<vmem>>) semaphore(%arg8 : memref<!tpu.dma_semaphore, #tpu.memory_space<semaphore_mem>>)
      %mul3A_148 = arith.constant 16 : i32
      %mul3A_149 = arith.muli %scan3A_102, %mul3A_148 : i32
      %add3A_150 = arith.constant 5 : i32
      %add3A_151 = arith.addi %mul3A_149, %add3A_150 : i32
      %mul3A_152 = arith.constant 128 : i32
      %mul3A_153 = arith.muli %add3A_151, %mul3A_152 : i32
      %dma_start3A_154 = tpu.memref_slice %arg6[%mul3A_153] : memref<51200xi32, #tpu.memory_space<vmem>> -> memref<128xi32, #tpu.memory_space<vmem>>
      %dma_start3A_155 = arith.constant 0 : i32
      %dma_start3A_156 = tpu.memref_slice %arg7[%dma_start3A_155] : memref<1048576xi32, #tpu.memory_space<vmem_shared>> -> memref<1048576xi32, #tpu.memory_space<vmem_shared>>
      tpu.enqueue_indirect_dma source(%arg5 : memref<128xi32, #tpu.memory_space<vmem>>) target(%dma_start3A_156 : memref<1048576xi32, #tpu.memory_space<vmem_shared>>) offsets(%dma_start3A_154 : memref<128xi32, #tpu.memory_space<vmem>>) semaphore(%arg8 : memref<!tpu.dma_semaphore, #tpu.memory_space<semaphore_mem>>)
      %mul3A_157 = arith.constant 16 : i32
      %mul3A_158 = arith.muli %scan3A_102, %mul3A_157 : i32
      %add3A_159 = arith.constant 6 : i32
      %add3A_160 = arith.addi %mul3A_158, %add3A_159 : i32
      %mul3A_161 = arith.constant 128 : i32
      %mul3A_162 = arith.muli %add3A_160, %mul3A_161 : i32
      %dma_start3A_163 = tpu.memref_slice %arg6[%mul3A_162] : memref<51200xi32, #tpu.memory_space<vmem>> -> memref<128xi32, #tpu.memory_space<vmem>>
      %dma_start3A_164 = arith.constant 0 : i32
      %dma_start3A_165 = tpu.memref_slice %arg7[%dma_start3A_164] : memref<1048576xi32, #tpu.memory_space<vmem_shared>> -> memref<1048576xi32, #tpu.memory_space<vmem_shared>>
      tpu.enqueue_indirect_dma source(%arg5 : memref<128xi32, #tpu.memory_space<vmem>>) target(%dma_start3A_165 : memref<1048576xi32, #tpu.memory_space<vmem_shared>>) offsets(%dma_start3A_163 : memref<128xi32, #tpu.memory_space<vmem>>) semaphore(%arg8 : memref<!tpu.dma_semaphore, #tpu.memory_space<semaphore_mem>>)
      %mul3A_166 = arith.constant 16 : i32
      %mul3A_167 = arith.muli %scan3A_102, %mul3A_166 : i32
      %add3A_168 = arith.constant 7 : i32
      %add3A_169 = arith.addi %mul3A_167, %add3A_168 : i32
      %mul3A_170 = arith.constant 128 : i32
      %mul3A_171 = arith.muli %add3A_169, %mul3A_170 : i32
      %dma_start3A_172 = tpu.memref_slice %arg6[%mul3A_171] : memref<51200xi32, #tpu.memory_space<vmem>> -> memref<128xi32, #tpu.memory_space<vmem>>
      %dma_start3A_173 = arith.constant 0 : i32
      %dma_start3A_174 = tpu.memref_slice %arg7[%dma_start3A_173] : memref<1048576xi32, #tpu.memory_space<vmem_shared>> -> memref<1048576xi32, #tpu.memory_space<vmem_shared>>
      tpu.enqueue_indirect_dma source(%arg5 : memref<128xi32, #tpu.memory_space<vmem>>) target(%dma_start3A_174 : memref<1048576xi32, #tpu.memory_space<vmem_shared>>) offsets(%dma_start3A_172 : memref<128xi32, #tpu.memory_space<vmem>>) semaphore(%arg8 : memref<!tpu.dma_semaphore, #tpu.memory_space<semaphore_mem>>)
      %mul3A_175 = arith.constant 16 : i32
      %mul3A_176 = arith.muli %scan3A_102, %mul3A_175 : i32
      %add3A_177 = arith.constant 8 : i32
      %add3A_178 = arith.addi %mul3A_176, %add3A_177 : i32
      %mul3A_179 = arith.constant 128 : i32
      %mul3A_180 = arith.muli %add3A_178, %mul3A_179 : i32
      %dma_start3A_181 = tpu.memref_slice %arg6[%mul3A_180] : memref<51200xi32, #tpu.memory_space<vmem>> -> memref<128xi32, #tpu.memory_space<vmem>>
      %dma_start3A_182 = arith.constant 0 : i32
      %dma_start3A_183 = tpu.memref_slice %arg7[%dma_start3A_182] : memref<1048576xi32, #tpu.memory_space<vmem_shared>> -> memref<1048576xi32, #tpu.memory_space<vmem_shared>>
      tpu.enqueue_indirect_dma source(%arg5 : memref<128xi32, #tpu.memory_space<vmem>>) target(%dma_start3A_183 : memref<1048576xi32, #tpu.memory_space<vmem_shared>>) offsets(%dma_start3A_181 : memref<128xi32, #tpu.memory_space<vmem>>) semaphore(%arg8 : memref<!tpu.dma_semaphore, #tpu.memory_space<semaphore_mem>>)
      %mul3A_184 = arith.constant 16 : i32
      %mul3A_185 = arith.muli %scan3A_102, %mul3A_184 : i32
      %add3A_186 = arith.constant 9 : i32
      %add3A_187 = arith.addi %mul3A_185, %add3A_186 : i32
      %mul3A_188 = arith.constant 128 : i32
      %mul3A_189 = arith.muli %add3A_187, %mul3A_188 : i32
      %dma_start3A_190 = tpu.memref_slice %arg6[%mul3A_189] : memref<51200xi32, #tpu.memory_space<vmem>> -> memref<128xi32, #tpu.memory_space<vmem>>
      %dma_start3A_191 = arith.constant 0 : i32
      %dma_start3A_192 = tpu.memref_slice %arg7[%dma_start3A_191] : memref<1048576xi32, #tpu.memory_space<vmem_shared>> -> memref<1048576xi32, #tpu.memory_space<vmem_shared>>
      tpu.enqueue_indirect_dma source(%arg5 : memref<128xi32, #tpu.memory_space<vmem>>) target(%dma_start3A_192 : memref<1048576xi32, #tpu.memory_space<vmem_shared>>) offsets(%dma_start3A_190 : memref<128xi32, #tpu.memory_space<vmem>>) semaphore(%arg8 : memref<!tpu.dma_semaphore, #tpu.memory_space<semaphore_mem>>)
      %mul3A_193 = arith.constant 16 : i32
      %mul3A_194 = arith.muli %scan3A_102, %mul3A_193 : i32
      %add3A_195 = arith.constant 10 : i32
      %add3A_196 = arith.addi %mul3A_194, %add3A_195 : i32
      %mul3A_197 = arith.constant 128 : i32
      %mul3A_198 = arith.muli %add3A_196, %mul3A_197 : i32
      %dma_start3A_199 = tpu.memref_slice %arg6[%mul3A_198] : memref<51200xi32, #tpu.memory_space<vmem>> -> memref<128xi32, #tpu.memory_space<vmem>>
      %dma_start3A_200 = arith.constant 0 : i32
      %dma_start3A_201 = tpu.memref_slice %arg7[%dma_start3A_200] : memref<1048576xi32, #tpu.memory_space<vmem_shared>> -> memref<1048576xi32, #tpu.memory_space<vmem_shared>>
      tpu.enqueue_indirect_dma source(%arg5 : memref<128xi32, #tpu.memory_space<vmem>>) target(%dma_start3A_201 : memref<1048576xi32, #tpu.memory_space<vmem_shared>>) offsets(%dma_start3A_199 : memref<128xi32, #tpu.memory_space<vmem>>) semaphore(%arg8 : memref<!tpu.dma_semaphore, #tpu.memory_space<semaphore_mem>>)
      %mul3A_202 = arith.constant 16 : i32
      %mul3A_203 = arith.muli %scan3A_102, %mul3A_202 : i32
      %add3A_204 = arith.constant 11 : i32
      %add3A_205 = arith.addi %mul3A_203, %add3A_204 : i32
      %mul3A_206 = arith.constant 128 : i32
      %mul3A_207 = arith.muli %add3A_205, %mul3A_206 : i32
      %dma_start3A_208 = tpu.memref_slice %arg6[%mul3A_207] : memref<51200xi32, #tpu.memory_space<vmem>> -> memref<128xi32, #tpu.memory_space<vmem>>
      %dma_start3A_209 = arith.constant 0 : i32
      %dma_start3A_210 = tpu.memref_slice %arg7[%dma_start3A_209] : memref<1048576xi32, #tpu.memory_space<vmem_shared>> -> memref<1048576xi32, #tpu.memory_space<vmem_shared>>
      tpu.enqueue_indirect_dma source(%arg5 : memref<128xi32, #tpu.memory_space<vmem>>) target(%dma_start3A_210 : memref<1048576xi32, #tpu.memory_space<vmem_shared>>) offsets(%dma_start3A_208 : memref<128xi32, #tpu.memory_space<vmem>>) semaphore(%arg8 : memref<!tpu.dma_semaphore, #tpu.memory_space<semaphore_mem>>)
      %mul3A_211 = arith.constant 16 : i32
      %mul3A_212 = arith.muli %scan3A_102, %mul3A_211 : i32
      %add3A_213 = arith.constant 12 : i32
      %add3A_214 = arith.addi %mul3A_212, %add3A_213 : i32
      %mul3A_215 = arith.constant 128 : i32
      %mul3A_216 = arith.muli %add3A_214, %mul3A_215 : i32
      %dma_start3A_217 = tpu.memref_slice %arg6[%mul3A_216] : memref<51200xi32, #tpu.memory_space<vmem>> -> memref<128xi32, #tpu.memory_space<vmem>>
      %dma_start3A_218 = arith.constant 0 : i32
      %dma_start3A_219 = tpu.memref_slice %arg7[%dma_start3A_218] : memref<1048576xi32, #tpu.memory_space<vmem_shared>> -> memref<1048576xi32, #tpu.memory_space<vmem_shared>>
      tpu.enqueue_indirect_dma source(%arg5 : memref<128xi32, #tpu.memory_space<vmem>>) target(%dma_start3A_219 : memref<1048576xi32, #tpu.memory_space<vmem_shared>>) offsets(%dma_start3A_217 : memref<128xi32, #tpu.memory_space<vmem>>) semaphore(%arg8 : memref<!tpu.dma_semaphore, #tpu.memory_space<semaphore_mem>>)
      %mul3A_220 = arith.constant 16 : i32
      %mul3A_221 = arith.muli %scan3A_102, %mul3A_220 : i32
      %add3A_222 = arith.constant 13 : i32
      %add3A_223 = arith.addi %mul3A_221, %add3A_222 : i32
      %mul3A_224 = arith.constant 128 : i32
      %mul3A_225 = arith.muli %add3A_223, %mul3A_224 : i32
      %dma_start3A_226 = tpu.memref_slice %arg6[%mul3A_225] : memref<51200xi32, #tpu.memory_space<vmem>> -> memref<128xi32, #tpu.memory_space<vmem>>
      %dma_start3A_227 = arith.constant 0 : i32
      %dma_start3A_228 = tpu.memref_slice %arg7[%dma_start3A_227] : memref<1048576xi32, #tpu.memory_space<vmem_shared>> -> memref<1048576xi32, #tpu.memory_space<vmem_shared>>
      tpu.enqueue_indirect_dma source(%arg5 : memref<128xi32, #tpu.memory_space<vmem>>) target(%dma_start3A_228 : memref<1048576xi32, #tpu.memory_space<vmem_shared>>) offsets(%dma_start3A_226 : memref<128xi32, #tpu.memory_space<vmem>>) semaphore(%arg8 : memref<!tpu.dma_semaphore, #tpu.memory_space<semaphore_mem>>)
      %mul3A_229 = arith.constant 16 : i32
      %mul3A_230 = arith.muli %scan3A_102, %mul3A_229 : i32
      %add3A_231 = arith.constant 14 : i32
      %add3A_232 = arith.addi %mul3A_230, %add3A_231 : i32
      %mul3A_233 = arith.constant 128 : i32
      %mul3A_234 = arith.muli %add3A_232, %mul3A_233 : i32
      %dma_start3A_235 = tpu.memref_slice %arg6[%mul3A_234] : memref<51200xi32, #tpu.memory_space<vmem>> -> memref<128xi32, #tpu.memory_space<vmem>>
      %dma_start3A_236 = arith.constant 0 : i32
      %dma_start3A_237 = tpu.memref_slice %arg7[%dma_start3A_236] : memref<1048576xi32, #tpu.memory_space<vmem_shared>> -> memref<1048576xi32, #tpu.memory_space<vmem_shared>>
      tpu.enqueue_indirect_dma source(%arg5 : memref<128xi32, #tpu.memory_space<vmem>>) target(%dma_start3A_237 : memref<1048576xi32, #tpu.memory_space<vmem_shared>>) offsets(%dma_start3A_235 : memref<128xi32, #tpu.memory_space<vmem>>) semaphore(%arg8 : memref<!tpu.dma_semaphore, #tpu.memory_space<semaphore_mem>>)
      %mul3A_238 = arith.constant 16 : i32
      %mul3A_239 = arith.muli %scan3A_102, %mul3A_238 : i32
      %add3A_240 = arith.constant 15 : i32
      %add3A_241 = arith.addi %mul3A_239, %add3A_240 : i32
      %mul3A_242 = arith.constant 128 : i32
      %mul3A_243 = arith.muli %add3A_241, %mul3A_242 : i32
      %dma_start3A_244 = tpu.memref_slice %arg6[%mul3A_243] : memref<51200xi32, #tpu.memory_space<vmem>> -> memref<128xi32, #tpu.memory_space<vmem>>
      %dma_start3A_245 = arith.constant 0 : i32
      %dma_start3A_246 = tpu.memref_slice %arg7[%dma_start3A_245] : memref<1048576xi32, #tpu.memory_space<vmem_shared>> -> memref<1048576xi32, #tpu.memory_space<vmem_shared>>
      tpu.enqueue_indirect_dma source(%arg5 : memref<128xi32, #tpu.memory_space<vmem>>) target(%dma_start3A_246 : memref<1048576xi32, #tpu.memory_space<vmem_shared>>) offsets(%dma_start3A_244 : memref<128xi32, #tpu.memory_space<vmem>>) semaphore(%arg8 : memref<!tpu.dma_semaphore, #tpu.memory_space<semaphore_mem>>)
      %dma_wait3A_247 = tpu.memref_slice %arg6[%mul3A_108] : memref<51200xi32, #tpu.memory_space<vmem>> -> memref<128xi32, #tpu.memory_space<vmem>>
      %dma_wait3A_248 = arith.constant 0 : i32
      %dma_wait3A_249 = tpu.memref_slice %arg7[%dma_wait3A_248] : memref<1048576xi32, #tpu.memory_space<vmem_shared>> -> memref<1048576xi32, #tpu.memory_space<vmem_shared>>
      tpu.wait_indirect_dma semaphore(%arg8 : memref<!tpu.dma_semaphore, #tpu.memory_space<semaphore_mem>>) src(%arg5 : memref<128xi32, #tpu.memory_space<vmem>>) dst(%dma_wait3A_249 : memref<1048576xi32, #tpu.memory_space<vmem_shared>>)
      %dma_wait3A_250 = tpu.memref_slice %arg6[%mul3A_117] : memref<51200xi32, #tpu.memory_space<vmem>> -> memref<128xi32, #tpu.memory_space<vmem>>
      %dma_wait3A_251 = arith.constant 0 : i32
      %dma_wait3A_252 = tpu.memref_slice %arg7[%dma_wait3A_251] : memref<1048576xi32, #tpu.memory_space<vmem_shared>> -> memref<1048576xi32, #tpu.memory_space<vmem_shared>>
      tpu.wait_indirect_dma semaphore(%arg8 : memref<!tpu.dma_semaphore, #tpu.memory_space<semaphore_mem>>) src(%arg5 : memref<128xi32, #tpu.memory_space<vmem>>) dst(%dma_wait3A_252 : memref<1048576xi32, #tpu.memory_space<vmem_shared>>)
      %dma_wait3A_253 = tpu.memref_slice %arg6[%mul3A_126] : memref<51200xi32, #tpu.memory_space<vmem>> -> memref<128xi32, #tpu.memory_space<vmem>>
      %dma_wait3A_254 = arith.constant 0 : i32
      %dma_wait3A_255 = tpu.memref_slice %arg7[%dma_wait3A_254] : memref<1048576xi32, #tpu.memory_space<vmem_shared>> -> memref<1048576xi32, #tpu.memory_space<vmem_shared>>
      tpu.wait_indirect_dma semaphore(%arg8 : memref<!tpu.dma_semaphore, #tpu.memory_space<semaphore_mem>>) src(%arg5 : memref<128xi32, #tpu.memory_space<vmem>>) dst(%dma_wait3A_255 : memref<1048576xi32, #tpu.memory_space<vmem_shared>>)
      %dma_wait3A_256 = tpu.memref_slice %arg6[%mul3A_135] : memref<51200xi32, #tpu.memory_space<vmem>> -> memref<128xi32, #tpu.memory_space<vmem>>
      %dma_wait3A_257 = arith.constant 0 : i32
      %dma_wait3A_258 = tpu.memref_slice %arg7[%dma_wait3A_257] : memref<1048576xi32, #tpu.memory_space<vmem_shared>> -> memref<1048576xi32, #tpu.memory_space<vmem_shared>>
      tpu.wait_indirect_dma semaphore(%arg8 : memref<!tpu.dma_semaphore, #tpu.memory_space<semaphore_mem>>) src(%arg5 : memref<128xi32, #tpu.memory_space<vmem>>) dst(%dma_wait3A_258 : memref<1048576xi32, #tpu.memory_space<vmem_shared>>)
      %dma_wait3A_259 = tpu.memref_slice %arg6[%mul3A_144] : memref<51200xi32, #tpu.memory_space<vmem>> -> memref<128xi32, #tpu.memory_space<vmem>>
      %dma_wait3A_260 = arith.constant 0 : i32
      %dma_wait3A_261 = tpu.memref_slice %arg7[%dma_wait3A_260] : memref<1048576xi32, #tpu.memory_space<vmem_shared>> -> memref<1048576xi32, #tpu.memory_space<vmem_shared>>
      tpu.wait_indirect_dma semaphore(%arg8 : memref<!tpu.dma_semaphore, #tpu.memory_space<semaphore_mem>>) src(%arg5 : memref<128xi32, #tpu.memory_space<vmem>>) dst(%dma_wait3A_261 : memref<1048576xi32, #tpu.memory_space<vmem_shared>>)
      %dma_wait3A_262 = tpu.memref_slice %arg6[%mul3A_153] : memref<51200xi32, #tpu.memory_space<vmem>> -> memref<128xi32, #tpu.memory_space<vmem>>
      %dma_wait3A_263 = arith.constant 0 : i32
      %dma_wait3A_264 = tpu.memref_slice %arg7[%dma_wait3A_263] : memref<1048576xi32, #tpu.memory_space<vmem_shared>> -> memref<1048576xi32, #tpu.memory_space<vmem_shared>>
      tpu.wait_indirect_dma semaphore(%arg8 : memref<!tpu.dma_semaphore, #tpu.memory_space<semaphore_mem>>) src(%arg5 : memref<128xi32, #tpu.memory_space<vmem>>) dst(%dma_wait3A_264 : memref<1048576xi32, #tpu.memory_space<vmem_shared>>)
      %dma_wait3A_265 = tpu.memref_slice %arg6[%mul3A_162] : memref<51200xi32, #tpu.memory_space<vmem>> -> memref<128xi32, #tpu.memory_space<vmem>>
      %dma_wait3A_266 = arith.constant 0 : i32
      %dma_wait3A_267 = tpu.memref_slice %arg7[%dma_wait3A_266] : memref<1048576xi32, #tpu.memory_space<vmem_shared>> -> memref<1048576xi32, #tpu.memory_space<vmem_shared>>
      tpu.wait_indirect_dma semaphore(%arg8 : memref<!tpu.dma_semaphore, #tpu.memory_space<semaphore_mem>>) src(%arg5 : memref<128xi32, #tpu.memory_space<vmem>>) dst(%dma_wait3A_267 : memref<1048576xi32, #tpu.memory_space<vmem_shared>>)
      %dma_wait3A_268 = tpu.memref_slice %arg6[%mul3A_171] : memref<51200xi32, #tpu.memory_space<vmem>> -> memref<128xi32, #tpu.memory_space<vmem>>
      %dma_wait3A_269 = arith.constant 0 : i32
      %dma_wait3A_270 = tpu.memref_slice %arg7[%dma_wait3A_269] : memref<1048576xi32, #tpu.memory_space<vmem_shared>> -> memref<1048576xi32, #tpu.memory_space<vmem_shared>>
      tpu.wait_indirect_dma semaphore(%arg8 : memref<!tpu.dma_semaphore, #tpu.memory_space<semaphore_mem>>) src(%arg5 : memref<128xi32, #tpu.memory_space<vmem>>) dst(%dma_wait3A_270 : memref<1048576xi32, #tpu.memory_space<vmem_shared>>)
      %dma_wait3A_271 = tpu.memref_slice %arg6[%mul3A_180] : memref<51200xi32, #tpu.memory_space<vmem>> -> memref<128xi32, #tpu.memory_space<vmem>>
      %dma_wait3A_272 = arith.constant 0 : i32
      %dma_wait3A_273 = tpu.memref_slice %arg7[%dma_wait3A_272] : memref<1048576xi32, #tpu.memory_space<vmem_shared>> -> memref<1048576xi32, #tpu.memory_space<vmem_shared>>
      tpu.wait_indirect_dma semaphore(%arg8 : memref<!tpu.dma_semaphore, #tpu.memory_space<semaphore_mem>>) src(%arg5 : memref<128xi32, #tpu.memory_space<vmem>>) dst(%dma_wait3A_273 : memref<1048576xi32, #tpu.memory_space<vmem_shared>>)
      %dma_wait3A_274 = tpu.memref_slice %arg6[%mul3A_189] : memref<51200xi32, #tpu.memory_space<vmem>> -> memref<128xi32, #tpu.memory_space<vmem>>
      %dma_wait3A_275 = arith.constant 0 : i32
      %dma_wait3A_276 = tpu.memref_slice %arg7[%dma_wait3A_275] : memref<1048576xi32, #tpu.memory_space<vmem_shared>> -> memref<1048576xi32, #tpu.memory_space<vmem_shared>>
      tpu.wait_indirect_dma semaphore(%arg8 : memref<!tpu.dma_semaphore, #tpu.memory_space<semaphore_mem>>) src(%arg5 : memref<128xi32, #tpu.memory_space<vmem>>) dst(%dma_wait3A_276 : memref<1048576xi32, #tpu.memory_space<vmem_shared>>)
      %dma_wait3A_277 = tpu.memref_slice %arg6[%mul3A_198] : memref<51200xi32, #tpu.memory_space<vmem>> -> memref<128xi32, #tpu.memory_space<vmem>>
      %dma_wait3A_278 = arith.constant 0 : i32
      %dma_wait3A_279 = tpu.memref_slice %arg7[%dma_wait3A_278] : memref<1048576xi32, #tpu.memory_space<vmem_shared>> -> memref<1048576xi32, #tpu.memory_space<vmem_shared>>
      tpu.wait_indirect_dma semaphore(%arg8 : memref<!tpu.dma_semaphore, #tpu.memory_space<semaphore_mem>>) src(%arg5 : memref<128xi32, #tpu.memory_space<vmem>>) dst(%dma_wait3A_279 : memref<1048576xi32, #tpu.memory_space<vmem_shared>>)
      %dma_wait3A_280 = tpu.memref_slice %arg6[%mul3A_207] : memref<51200xi32, #tpu.memory_space<vmem>> -> memref<128xi32, #tpu.memory_space<vmem>>
      %dma_wait3A_281 = arith.constant 0 : i32
      %dma_wait3A_282 = tpu.memref_slice %arg7[%dma_wait3A_281] : memref<1048576xi32, #tpu.memory_space<vmem_shared>> -> memref<1048576xi32, #tpu.memory_space<vmem_shared>>
      tpu.wait_indirect_dma semaphore(%arg8 : memref<!tpu.dma_semaphore, #tpu.memory_space<semaphore_mem>>) src(%arg5 : memref<128xi32, #tpu.memory_space<vmem>>) dst(%dma_wait3A_282 : memref<1048576xi32, #tpu.memory_space<vmem_shared>>)
      %dma_wait3A_283 = tpu.memref_slice %arg6[%mul3A_216] : memref<51200xi32, #tpu.memory_space<vmem>> -> memref<128xi32, #tpu.memory_space<vmem>>
      %dma_wait3A_284 = arith.constant 0 : i32
      %dma_wait3A_285 = tpu.memref_slice %arg7[%dma_wait3A_284] : memref<1048576xi32, #tpu.memory_space<vmem_shared>> -> memref<1048576xi32, #tpu.memory_space<vmem_shared>>
      tpu.wait_indirect_dma semaphore(%arg8 : memref<!tpu.dma_semaphore, #tpu.memory_space<semaphore_mem>>) src(%arg5 : memref<128xi32, #tpu.memory_space<vmem>>) dst(%dma_wait3A_285 : memref<1048576xi32, #tpu.memory_space<vmem_shared>>)
      %dma_wait3A_286 = tpu.memref_slice %arg6[%mul3A_225] : memref<51200xi32, #tpu.memory_space<vmem>> -> memref<128xi32, #tpu.memory_space<vmem>>
      %dma_wait3A_287 = arith.constant 0 : i32
      %dma_wait3A_288 = tpu.memref_slice %arg7[%dma_wait3A_287] : memref<1048576xi32, #tpu.memory_space<vmem_shared>> -> memref<1048576xi32, #tpu.memory_space<vmem_shared>>
      tpu.wait_indirect_dma semaphore(%arg8 : memref<!tpu.dma_semaphore, #tpu.memory_space<semaphore_mem>>) src(%arg5 : memref<128xi32, #tpu.memory_space<vmem>>) dst(%dma_wait3A_288 : memref<1048576xi32, #tpu.memory_space<vmem_shared>>)
      %dma_wait3A_289 = tpu.memref_slice %arg6[%mul3A_234] : memref<51200xi32, #tpu.memory_space<vmem>> -> memref<128xi32, #tpu.memory_space<vmem>>
      %dma_wait3A_290 = arith.constant 0 : i32
      %dma_wait3A_291 = tpu.memref_slice %arg7[%dma_wait3A_290] : memref<1048576xi32, #tpu.memory_space<vmem_shared>> -> memref<1048576xi32, #tpu.memory_space<vmem_shared>>
      tpu.wait_indirect_dma semaphore(%arg8 : memref<!tpu.dma_semaphore, #tpu.memory_space<semaphore_mem>>) src(%arg5 : memref<128xi32, #tpu.memory_space<vmem>>) dst(%dma_wait3A_291 : memref<1048576xi32, #tpu.memory_space<vmem_shared>>)
      %dma_wait3A_292 = tpu.memref_slice %arg6[%mul3A_243] : memref<51200xi32, #tpu.memory_space<vmem>> -> memref<128xi32, #tpu.memory_space<vmem>>
      %dma_wait3A_293 = arith.constant 0 : i32
      %dma_wait3A_294 = tpu.memref_slice %arg7[%dma_wait3A_293] : memref<1048576xi32, #tpu.memory_space<vmem_shared>> -> memref<1048576xi32, #tpu.memory_space<vmem_shared>>
      tpu.wait_indirect_dma semaphore(%arg8 : memref<!tpu.dma_semaphore, #tpu.memory_space<semaphore_mem>>) src(%arg5 : memref<128xi32, #tpu.memory_space<vmem>>) dst(%dma_wait3A_294 : memref<1048576xi32, #tpu.memory_space<vmem_shared>>)
    }
    %scan3A_93 = arith.constant 25 : i32
    %barrier3A_94 = arith.constant 0 : index
    tpu.barrier barrier_id(%barrier3A_94)
    %mul3A_95 = arith.constant 65536 : i32
    %mul3A_96 = arith.muli %arg1, %mul3A_95 : i32
    %mul3A_97 = arith.constant 1048576 : i32
    %mul3A_98 = arith.muli %arg0, %mul3A_97 : i32
    %mul3A_99 = arith.constant 65536 : i32
    %mul3A_100 = arith.muli %arg1, %mul3A_99 : i32
    %add3A_101 = arith.addi %mul3A_98, %mul3A_100 : i32
    "tpu.region"() ({
      %run_scoped3A = tpu.sem_alloc : memref<!tpu.dma_semaphore, #tpu.memory_space<semaphore_mem>>
      %dma_start3A_102 = tpu.memref_slice %arg3[%add3A_101] : memref<2097152xi32, #tpu.memory_space<hbm>> -> memref<65536xi32, #tpu.memory_space<hbm>>
      %dma_start3A_103 = tpu.memref_slice %arg7[%mul3A_96] : memref<1048576xi32, #tpu.memory_space<vmem_shared>> -> memref<65536xi32, #tpu.memory_space<vmem_shared>>
      tpu.enqueue_dma source(%dma_start3A_103 : memref<65536xi32, #tpu.memory_space<vmem_shared>>) target(%dma_start3A_102 : memref<65536xi32, #tpu.memory_space<hbm>>) target_semaphore(%run_scoped3A : memref<!tpu.dma_semaphore, #tpu.memory_space<semaphore_mem>>)
      %dma_wait3A_104 = tpu.memref_slice %arg3[%add3A_101] : memref<2097152xi32, #tpu.memory_space<hbm>> -> memref<65536xi32, #tpu.memory_space<hbm>>
      %dma_wait3A_105 = tpu.memref_slice %arg7[%mul3A_96] : memref<1048576xi32, #tpu.memory_space<vmem_shared>> -> memref<65536xi32, #tpu.memory_space<vmem_shared>>
      tpu.wait_dma2 semaphore(%run_scoped3A : memref<!tpu.dma_semaphore, #tpu.memory_space<semaphore_mem>>) src(%dma_wait3A_105 : memref<65536xi32, #tpu.memory_space<vmem_shared>>) dst(%dma_wait3A_104 : memref<65536xi32, #tpu.memory_space<hbm>>)
      tpu.yield
    }) : () -> ()
    return
  }
}

module attributes {stable_mosaic.version = 14 : i64} {
  func.func @body(%arg0: i32, %arg1: memref<262144xi32, #tpu.memory_space<vmem>>, %arg2: memref<262144xi32, #tpu.memory_space<vmem>>, %arg3: memref<262144xi8, #tpu.memory_space<vmem>>, %arg4: memref<1x1xi32, #tpu.memory_space<vmem>>) attributes {dimension_semantics = [#tpu.dimension_semantics<arbitrary>], iteration_bounds = array<i64: 4>, scalar_prefetch = 0 : i64, scratch_operands = 0 : i64, tpu.core_type = #tpu.core_type<tc>, window_params = [{transform_indices = @transform_0, window_bounds = array<i64: 262144>}, {transform_indices = @transform_1, window_bounds = array<i64: 262144>}, {transform_indices = @transform_2, window_bounds = array<i64: 262144>}, {pipeline_mode = #tpu.pipeline_mode<synchronous>, transform_indices = @transform_3, window_bounds = array<i64: 1, 1>}]} {
    %get3A = arith.constant 0 : index
    %get3A_0 = vector.load %arg1[%get3A] : memref<262144xi32, #tpu.memory_space<vmem>>, vector<262144xi32>
    %get3A_1 = arith.constant 0 : index
    %get3A_2 = vector.load %arg2[%get3A_1] : memref<262144xi32, #tpu.memory_space<vmem>>, vector<262144xi32>
    %or3A = arith.ori %get3A_0, %get3A_2 : vector<262144xi32>
    %convert_element_type3A = arith.trunci %or3A : vector<262144xi32> to vector<262144xi8>
    %swap3A = arith.constant 0 : index
    %swap3A_3 = vector.load %arg3[%swap3A] : memref<262144xi8, #tpu.memory_space<vmem>>, vector<262144xi8>
    tpu.vector_store %arg3[%swap3A], %convert_element_type3A {strides = array<i32>} : memref<262144xi8, #tpu.memory_space<vmem>>, vector<262144xi8>,
    %eq3A = arith.constant 0 : i32
    %eq3A_4 = arith.cmpi eq, %arg0, %eq3A : i32
    %convert_element_type3A_5 = arith.extui %eq3A_4 : i1 to i32
    %cond3A = arith.constant 0 : i32
    %cond3A_6 = arith.cmpi ne, %convert_element_type3A_5, %cond3A : i32
    scf.if %cond3A_6 {
      %broadcast_in_dim3A = arith.constant 0 : i32
      %broadcast_in_dim3A_18 = vector.broadcast %broadcast_in_dim3A : i32 to vector<1x1xi32>
      %swap3A_19 = arith.constant 0 : index
      %swap3A_20 = arith.constant 0 : index
      %swap3A_21 = vector.load %arg4[%swap3A_19, %swap3A_20] : memref<1x1xi32, #tpu.memory_space<vmem>>, vector<1x1xi32>
      tpu.vector_store %arg4[%swap3A_19, %swap3A_20], %broadcast_in_dim3A_18 {strides = array<i32>} : memref<1x1xi32, #tpu.memory_space<vmem>>, vector<1x1xi32>,
    } else {
    }
    %get3A_7 = arith.constant 0 : index
    %get3A_8 = arith.constant 0 : index
    %get3A_9 = vector.load %arg4[%get3A_7, %get3A_8] : memref<1x1xi32, #tpu.memory_space<vmem>>, vector<1x1xi32>
    %reduce_sum3A = vector.shape_cast %or3A : vector<262144xi32> to vector<1x262144xi32>
    %reduce_sum3A_10 = arith.constant dense<0> : vector<1xi32>
    %reduce_sum3A_11 = vector.multi_reduction <add>, %reduce_sum3A, %reduce_sum3A_10 [1] : vector<1x262144xi32> to vector<1xi32>
    %reduce_sum3A_12 = vector.shape_cast %reduce_sum3A_11 : vector<1xi32> to vector<1x1xi32>
    %reduce_sum3A_13 = vector.extract %reduce_sum3A_12[0, 0] : i32 from vector<1x1xi32>
    %add3A = vector.broadcast %reduce_sum3A_13 : i32 to vector<1x1xi32>
    %add3A_14 = arith.addi %get3A_9, %add3A : vector<1x1xi32>
    %swap3A_15 = arith.constant 0 : index
    %swap3A_16 = arith.constant 0 : index
    %swap3A_17 = vector.load %arg4[%swap3A_15, %swap3A_16] : memref<1x1xi32, #tpu.memory_space<vmem>>, vector<1x1xi32>
    tpu.vector_store %arg4[%swap3A_15, %swap3A_16], %add3A_14 {strides = array<i32>} : memref<1x1xi32, #tpu.memory_space<vmem>>, vector<1x1xi32>,
    return
  }
  func.func @transform_0(%arg0: i32) -> i32 {
    %c0_i32 = arith.constant 0 : i32
    return %arg0 : i32
  }
  func.func @transform_1(%arg0: i32) -> i32 {
    %add3A = arith.constant 4 : i32
    %add3A_0 = arith.addi %arg0, %add3A : i32
    %c0_i32 = arith.constant 0 : i32
    return %add3A_0 : i32
  }
  func.func @transform_2(%arg0: i32) -> i32 {
    %c0_i32 = arith.constant 0 : i32
    return %arg0 : i32
  }
  func.func @transform_3(%arg0: i32) -> (i32, i32) {
    %c0_i32 = arith.constant 0 : i32
    %c0_i32_0 = arith.constant 0 : i32
    %c0_i32_1 = arith.constant 0 : i32
    return %c0_i32, %c0_i32_0 : i32, i32
  }
}

</mosaic_0001>

<sc_bundles>
// kernel: kernel.4.cloned.1.call-start
scs
__scs_entry_jumppad:
0x0: {  	(pc) =	sbr.rel $0x88, $3  }
0x1: {  	(tag) =	ssettag $0x0;
	lr =	simm.s32 $0x1  }
0x2: {  	[smem:$0x3FA0] =	sst lr;
	_ =	strace $0xD0000000  }
0x3: {  	_ = 	snop  }
0x4: {  	_ = 	snop  }
0x5: {  	_ = 	snop  }
0x6: {  	_ = 	snop  }
0x7: {  	_ = 	snop  }
__scs_overlays_trampoline_lowered:
0x8: {  	[smem:$0x3FAF] =	sst s0  }
0x9: {  	[smem:$0x3FB0] =	sst s1  }
0xa: {  	[smem:$0x3FB1] =	sst s2  }
0xb: {  	[smem:$0x3FB2] =	sst s3  }
0xc: {  	[smem:$0x3FB3] =	sst s4  }
0xd: {  	[smem:$0x3FB4] =	sst s5  }
0xe: {  	[smem:$0x3FB5] =	sst s6  }
0xf: {  	[smem:$0x3FB6] =	sst s7  }
0x10: {  	[smem:$0x3FB7] =	sst s8  }
0x11: {  	[smem:$0x3FB8] =	sst s9;
	s0 =	simm.s32 @!p0 $0x0  }
0x12: {  	s1 =	sld [smem:$0x3F9E];
	s0 =	simm.s32 @p0 $0x1  }
0x13: {  	[smem:$0x3FB9] =	sst s0;
	s0 =	simm.s32 @!p1 $0x0  }
0x14: {  	s2 =	sld [smem:$0x3F9D];
	s0 =	simm.s32 @p1 $0x1  }
0x15: {  	[smem:$0x3FBA] =	sst s0;
	s0 =	simm.s32 @!p2 $0x0  }
0x16: {  	s3 =	sld [smem:$0x3FDB];
	s0 =	simm.s32 @p2 $0x1  }
0x17: {  	s4 =	simm.s32 $0x1BF5;
	[smem:$0x3FBC] =	sst s0  }
0x18: {  	s0 =	sld [smem:$0x3F9F];
	_ =	swait.ge [sflag:s4], $0x0  }
0x19: {  	s7 =	sld [smem:$0x3FA0]  }
0x1a: {  	s8 =	sadd.s32 $0xFFFFE003, lr  }
0x1b: {  	s9 =	sadd.s32 $0xFFFFFEF7, lr;
	s5 =	simm.s32 $0xFFFFFFFF;
	p2 =	slt.u32 s8, $0xFFFFF086  }
0x1c: {  	p1 =	slt.u32 s9, $0xF7A;
	s5 =	simm.s32 @!p2 $0x0  }
0x1d: {  	s5 =	simm.s32 @p1 $0x1;
	p0 =	seq.s32 s7, s2  }
0x1e: {  	s7 =	smul.u32 @!p0 $0xF7A, s2;
	p2 =	seq.s32 @!p0 s5, $0x0  }
0x1f: {  	s9 =	smul.u32 $0xF7A, s1;
	s8 =	simm.s32 @!p0 $0x1BF5;
	p2 =	por !p2, p0  }
0x20: {  	[sflag:s8] =	ssyncset.s32 @!p0 $0xFFFFF086;
	s6 =	sadd.s32 @!p0 s3, s7;
	s7 =	simm.s32 @!p0 $0x108  }
0x21: {  	s3 =	sadd.s32 s3, s9;
	s6 =	sadd.s32 @!p0 $0x88, s6;
	s7 =	simm.s32 @p2 $0x1082  }
0x22: {  	[simem:s7], [sflag:s8] =	dma.local @!p0 [hbm:s6], $0xF7A  }
0x23: {  	s9 =	sor.u32 $0xD0000000, s2;
	s6 =	simm.s32 $0x108;
	_ =	swait.ge @!p0 [sflag:s8], $0x0  }
0x24: {  	s3 =	sadd.s32 $0x88, s3;
	s6 =	simm.s32 @!p1 $0x1082;
	[sflag:s4] =	ssyncset.s32 $0xFFFFF086  }
0x25: {  	[simem:s6], [sflag:s4] =	dma.local [hbm:s3], $0xF7A  }
0x26: {  	[smem:$0x3FA0] =	sst s1;
	(tag) =	ssettag s2;
	_ =	strace s9  }
0x27: {  	s1 =	sld [smem:$0x3FB0]  }
0x28: {  	s2 =	sld [smem:$0x3FB1]  }
0x29: {  	s4 =	sld [smem:$0x3FB3]  }
0x2a: {  	p0 =	seq.s32 s5, $0x0;
	s5 =	sld [smem:$0x3FB4]  }
0x2b: {  	s6 =	sld [smem:$0x3FB5]  }
0x2c: {  	s7 =	sld [smem:$0x3FB6]  }
0x2d: {  	s3 =	simm.s32 $0x108;
	s8 =	sld [smem:$0x3FB7]  }
0x2e: {  	s3 =	simm.s32 @!p0 $0x1082;
	s9 =	sld [smem:$0x3FB8]  }
0x2f: {  	lr =	sadd.s32 s0, s3;
	s0 =	sld [smem:$0x3FAF]  }
0x30: {  	s3 =	sld [smem:$0x3FB2]  }
0x31: {  	[smem:$0x3FBB] =	sst s10  }
0x32: {  	s10 =	sld [smem:$0x3FB9];
	_ =	sdelay $0x3  }
0x33: {  	p0 =	seq.s32 s10, $0x1;
	s10 =	sld [smem:$0x3FBB];
	_ =	sdelay $0x3  }
0x34: {  	[smem:$0x3FBB] =	sst s10  }
0x35: {  	s10 =	sld [smem:$0x3FBA];
	_ =	sdelay $0x3  }
0x36: {  	p1 =	seq.s32 s10, $0x1;
	s10 =	sld [smem:$0x3FBB];
	_ =	sdelay $0x3  }
0x37: {  	[smem:$0x3FBB] =	sst s10  }
0x38: {  	s10 =	sld [smem:$0x3FBC]  }
0x39: {  	_ = 	snop;
	(pc) =	sbr.ind lr, $3  }
0x3a: {  	_ = 	snop  }
0x3b: {  	_ = 	snop  }
0x3c: {  	p2 =	seq.s32 s10, $0x1;
	s10 =	sld [smem:$0x3FBB]  }
0x3d: {  	_ =	shalt  }
0x3e: {  	_ =	shalt  }
0x3f: {  	_ =	shalt  }
0x40: {  	_ =	shalt  }
0x41: {  	_ =	shalt  }
0x42: {  	_ =	shalt  }
0x43: {  	_ =	shalt  }
0x44: {  	_ =	shalt  }
0x45: {  	_ =	shalt  }
0x46: {  	_ =	shalt  }
0x47: {  	_ =	shalt  }
0x48: {  	_ =	shalt  }
0x49: {  	_ =	shalt  }
0x4a: {  	_ =	shalt  }
0x4b: {  	_ =	shalt  }
0x4c: {  	_ =	shalt  }
0x4d: {  	_ =	shalt  }
0x4e: {  	_ =	shalt  }
0x4f: {  	_ =	shalt  }
0x50: {  	_ =	shalt  }
0x51: {  	_ =	shalt  }
0x52: {  	_ =	shalt  }
0x53: {  	_ =	shalt  }
0x54: {  	_ =	shalt  }
0x55: {  	_ =	shalt  }
0x56: {  	_ =	shalt  }
0x57: {  	_ =	shalt  }
0x58: {  	_ =	shalt  }
0x59: {  	_ =	shalt  }
0x5a: {  	_ =	shalt  }
0x5b: {  	_ =	shalt  }
0x5c: {  	_ =	shalt  }
0x5d: {  	_ =	shalt  }
0x5e: {  	_ =	shalt  }
0x5f: {  	_ =	shalt  }
0x60: {  	_ =	shalt  }
0x61: {  	_ =	shalt  }
0x62: {  	_ =	shalt  }
0x63: {  	_ =	shalt  }
0x64: {  	_ =	shalt  }
0x65: {  	_ =	shalt  }
0x66: {  	_ =	shalt  }
0x67: {  	_ =	shalt  }
0x68: {  	_ =	shalt  }
0x69: {  	_ =	shalt  }
0x6a: {  	_ =	shalt  }
0x6b: {  	_ =	shalt  }
0x6c: {  	_ =	shalt  }
0x6d: {  	_ =	shalt  }
0x6e: {  	_ =	shalt  }
0x6f: {  	_ =	shalt  }
0x70: {  	_ =	shalt  }
0x71: {  	_ =	shalt  }
0x72: {  	_ =	shalt  }
0x73: {  	_ =	shalt  }
0x74: {  	_ =	shalt  }
0x75: {  	_ =	shalt  }
0x76: {  	_ =	shalt  }
0x77: {  	_ =	shalt  }
0x78: {  	_ =	shalt  }
0x79: {  	_ =	shalt  }
0x7a: {  	_ =	shalt  }
0x7b: {  	_ =	shalt  }
0x7c: {  	_ =	shalt  }
0x7d: {  	_ =	shalt  }
0x7e: {  	_ =	shalt  }
0x7f: {  	_ =	shalt  }
0x80: {  	_ =	shalt  }
0x81: {  	_ =	shalt  }
0x82: {  	_ =	shalt  }
0x83: {  	_ =	shalt  }
0x84: {  	_ =	shalt  }
0x85: {  	_ =	shalt  }
0x86: {  	_ =	shalt  }
0x87: {  	_ =	shalt  }
.Lfunc_end0:
.L_simem_size_0:
called_computation_lowered:
.L_overlay_start_0:
0x88: {  	s2 =	sld [smem:$0x3FD9]  }
0x89: {  	s3 =	sld [smem:$0x3FFE];
	_ =	sdelay $0x1  }
0x8a: {  	s1 =	srdreg.scid  }
0x8b: {  	s0 =	sand.u32 $0x1, s1  }
0x8c: {  	s16 =	sshll.u32 s0, $0xA;
	s2 =	sadd.s32 s3, s2  }
0x8d: {  	s2 =	sadd.s32 s2, s16  }
0x8e: {  	[smem:$0x3FC7] =	sst s2  }
0x8f: {  	_ = 	snop  }
0x90: {  	(tm) =	ssettm $0x1  }
0x91: {  	s17 =	sld [smem:$0x3FFB];
	_ =	sdelay $0x3  }
0x92: {  	_ =	strace s17  }
0x93: {  	s2 =	sld [smem:$0x3FFC];
	_ =	sdelay $0x3  }
0x94: {  	_ =	strace s2  }
0x95: {  	s2 =	sld [smem:$0x3FFD];
	_ =	sdelay $0x3  }
0x96: {  	_ =	strace s2  }
0x97: {  	_ =	strace $0x8FFFFFFF  }
0x98: {  	s18 =	sld [smem:$0x3FDB];
	_ =	sdelay $0x1  }
0x99: {  	s19 =	simm.s32 $_scs_section_size  }
0x9a: {  	s4 =	simm.s32 $_size__tile_overlayer_lowered;
	s5 =	simm.s32 $_tile_overlayer_lowered  }
0x9b: {  	s22 =	simm.s32 $0x1BFF;
	s21 =	sshll.u32 s5, $0x1;
	s2 =	sadd.s32 s19, s18  }
0x9c: {  	s6 =	simm.s32 $0x0;
	s20 =	sshll.u32 s4, $0x1;
	s4 =	sadd.s32 s21, s2  }
0x9d: {  	[timem:s6], [sflag:s22] =	dma.local [hbm:s4], s20  }
0x9e: {  	_ =	swait.ge [sflag:s22], s20  }
0x9f: {  	s3 =	ssub.s32 $0x0, s20;
	[sflag:s22] =	ssyncset.done $0x0  }
0xa0: {  	[sflag:s22] =	ssyncadd.s32 s3;
	_ =	sdelay $0x1  }
0xa1: {  	s23 =	simm.s32 $0x1B8B  }
0xa2: {  	_ =	swait.ge [sflag:s23], $0x1  }
0xa3: {  	[sflag:s23] =	ssyncset.done $0x0  }
0xa4: {  	s25 =	simm.s32 $0x1B8E;
	s24 =	sld [smem:$0x3FFE];
	[sflag:s23] =	ssyncadd.s32 $0xFFFFFFFF  }
0xa5: {  	s26 =	simm.s32 $execute0_lowered;
	[smem:$0x3FD2] =	sst s25  }
0xa6: {  	s4 =	sshll.u32 s26, $0x1;
	_ =	strace $0x80000046;
	[dreg:$0x1] =	wrdreg $0xFFFFFFFF  }
0xa7: {  	s28 =	simm.s32 $_size_execute0_lowered;
	s2 =	sadd.s32 s2, s4;
	[dreg:$0x0] =	wrdreg $0x0  }
0xa8: {  	s4 =	sshll.u32 s28, $0x1;
	[dreg:$0x2] =	wrdreg s2  }
0xa9: {  	[dreg:$0x3] =	wrdreg s4  }
0xaa: {  	[dreg:$0x4] =	wrdreg $0xC0  }
0xab: {  	_ =	task [dreg:s6], $0x5FFFF  }
0xac: {  	[dreg:$0x1] =	wrdreg $0xFFFFFFFF  }
0xad: {  	[dreg:$0x0] =	wrdreg $0x60  }
0xae: {  	[dreg:$0x2] =	wrdreg s24  }
0xaf: {  	[dreg:$0x3] =	wrdreg $0xE8800  }
0xb0: {  	[dreg:$0x4] =	wrdreg $0x9  }
0xb1: {  	_ =	task.clear_ibuf [dreg:s6], $0x5FFFF;
	_ =	strace $0x90000046  }
0xb2: {  	s29 =	simm.s32 $0x9;
	_ =	strace $0x80000048  }
0xb3: {  	_ =	swait.ge [sflag:s29], $0x1  }
0xb4: {  	[sflag:s29] =	ssyncadd.s32 $0xFFFFFFFF  }
0xb5: {  	_ =	strace $0x90000048  }
0xb6: {  	_ =	sfence  }
0xb7: {  	s30 =	sld [smem:$0x0];
	_ =	sdelay $0x2  }
0xb8: {  	s31 =	sshll.u32 s1, $0xD;
	s1 =	sshrl.u32 s1, $0x2  }
0xb9: {  	s3 =	sand.u32 $0x4000, s31;
	s1 =	sadd.s32 s1, s30  }
0xba: {  	s0 =	sor.u32 s3, s0;
	s1 =	sshll.u32 s1, $0x11  }
0xbb: {  	s0 =	sor.u32 s1, s0  }
0xbc: {  	s0 =	sadd.s32 $0x8F2B, s0  }
0xbd: {  	[sflag:s0] =	ssyncadd.remote.s32 $0x1  }
0xbe: {  	_ =	sfence.sel $0xFFFF  }
0xbf: {  	[dreg:$0x0] =	wrdreg $0xFFFFFFFF;
	(pc) =	sbr.abs _section_cstart, $3  }
0xc0: {  	[dreg:$0x1] =	wrdreg $0xFFFFFFFF  }
0xc1: {  	_ =	task.clear_ibuf [dreg:s6], $0x2FFFF;
	_ =	strace $0x9FFFFFFF  }
0xc2: {  	(tm) =	ssettm $0x7FFFFFFF  }
0xc3: {  	_ =	shalt  }
tec
execute0_lowered:
.L_overlay_start_1:
0x0: {  	(tag) =	ssettag $0x1  }
0x1: {  	s4 =	rddreg [dreg:$0x0]  }
0x2: {  	s1 =	rddreg [dreg:$0x1]  }
0x3: {  	s2 =	srdreg.scid;
	s0 =	rddreg [dreg:$0x2];
	s3 =	simm.s32 $0x0  }
0x4: {  	s15 =	simm.s32 $0x2080;
	s16 =	simm.s32 $0x2;
	s17 =	simm.s32 $0x1  }
0x5: {  	s18 =	simm.s32 $0x80;
	s19 =	simm.s32 $0x2000;
	s22 =	simm.s32 $0x0  }
0x6: {  	s5 =	sand.u32 $0x1, s2;
	s2 =	stileid.u32;
	[smem:$0x7FF] =	sst s3  }
0x7: {  	s6 =	sshll.u32 s5, $0x4;
	s7 =	sshll.u32 s2, $0x10;
	s8 =	sshll.u32 s5, $0x14  }
0x8: {  	_ =	strace $0x80000047;
	s5 =	ssub.s32 $0x2, s5;
	s20 =	sshll.u32 s2, $0x6  }
0x9: {  	s6 =	sor.u32 s2, s6;
	s8 =	sor.u32 s7, s8;
	s31 =	sshrl.u32 s5, $0x1  }
0xa: {  	s20 =	sor.u32 $0x1C02, s20;
	s6 =	smul.u32 $0x1900, s6;
	s8 =	sshrl.u32 s8, $0x3  }
0xb: {  	s14 =	ssub.s32 s5, s31;
	s5 =	sadd.s32 s7, s1;
	s13 =	sadd.s32 s8, s4  }
0xc: {  	s7 =	sadd.s32 $0x4000, s5;
	s8 =	sadd.s32 $0x6000, s5;
	s9 =	sadd.s32 $0x8000, s5  }
0xd: {  	s10 =	sadd.s32 $0xA000, s5;
	s11 =	sadd.s32 $0xC000, s5;
	s12 =	sadd.s32 $0xE000, s5  }
0xe: {  	s14 =	smax.u32 s14, $0x1;
	s21 =	sshrl.u32 s5, $0x3;
	s6 =	sadd.s32 s6, s4  }
0xf: {  	v0 =	vimm.s32 $0x0;
	v1 =	vimm.s32 $0x1;
	s13 =	sadd.s32 $0x32800, s13;
	s4 =	sadd.s32 $0x800, s6;
	s6 =	sadd.s32 $0x2000, s5  }
.LBB2_1:
0x10: {  	[tilespmem:s15], [sflag:$0x1] =	stream.linear.gather [hbm4b:s4+s3], $0xC800, $0x38;
	[tilespmem:$0x1E880] =	vst v63  }
0x11: {  	s23 =	simm.s32 $0x0;
	s24 =	simm.s32 $0x200  }
.LBB2_2:
0x12: {  	p0 =	sne.s32 s24, $0x7E00;
	[tilespmem:s23+$0x70] =	vst v0  }
0x13: {  	[tilespmem:s23+$0x0] =	vst v0  }
0x14: {  	[tilespmem:s23+$0x10] =	vst v0  }
.Ltmp0:
0x15: {  	[tilespmem:s23+$0x20] =	vst v0;
	(pc) =	sbr.rel @p0 .LBB2_2-.Ltmp0, $4  }
0x16: {  	[tilespmem:s23+$0x30] =	vst v0  }
0x17: {  	[tilespmem:s23+$0x40] =	vst v0  }
0x18: {  	[tilespmem:s23+$0x50] =	vst v0  }
0x19: {  	[tilespmem:s23+$0x60] =	vst v0;
	s23 =	sshra.s32 s24, $0x2;
	s24 =	sadd.s32 $0x200, s24  }
0x1a: {  	[tilespmem:s23+$0x70] =	vst v0  }
0x1b: {  	[tilespmem:s23+$0x0] =	vst v0  }
0x1c: {  	[tilespmem:s23+$0x10] =	vst v0  }
0x1d: {  	[tilespmem:s23+$0x20] =	vst v0  }
0x1e: {  	[tilespmem:s23+$0x30] =	vst v0  }
0x1f: {  	[tilespmem:s23+$0x40] =	vst v0  }
0x20: {  	[tilespmem:s23+$0x50] =	vst v0  }
0x21: {  	[tilespmem:s23+$0x60] =	vst v0  }
0x22: {  	[tilespmem:$0x2000] =	vst v1  }
0x23: {  	[tilespmem:$0x2010] =	vst v1  }
0x24: {  	[tilespmem:$0x2020] =	vst v1  }
0x25: {  	[tilespmem:$0x2030] =	vst v1  }
0x26: {  	[tilespmem:$0x2040] =	vst v1  }
0x27: {  	[tilespmem:$0x2050] =	vst v1  }
0x28: {  	[tilespmem:$0x2060] =	vst v1  }
0x29: {  	s29 =	simm.s32 $0x0;
	[tilespmem:$0x2070] =	vst v1  }
0x2a: {  	[spmem:s5] =	stream.linear.scatter [tilespmem:s29], [sflag:$0x2], $0x2000, $0x38;
	[tilespmem:$0x1E880] =	vst v63  }
0x2b: {  	_ =	swait.ge [sflag:s16], $0x2000  }
0x2c: {  	[sflag:s16] =	ssyncset.done $0x0  }
0x2d: {  	[sflag:s16] =	ssyncadd.s32 $0xFFFFE000  }
0x2e: {  	[spmem:s6] =	stream.linear.scatter [tilespmem:s29], [sflag:$0x2], $0x2000, $0x38;
	[tilespmem:$0x1E880] =	vst v63  }
0x2f: {  	_ =	swait.ge [sflag:s16], $0x2000  }
0x30: {  	[sflag:s16] =	ssyncset.done $0x0  }
0x31: {  	[sflag:s16] =	ssyncadd.s32 $0xFFFFE000  }
0x32: {  	[spmem:s7] =	stream.linear.scatter [tilespmem:s29], [sflag:$0x2], $0x2000, $0x38;
	[tilespmem:$0x1E880] =	vst v63  }
0x33: {  	_ =	swait.ge [sflag:s16], $0x2000  }
0x34: {  	[sflag:s16] =	ssyncset.done $0x0  }
0x35: {  	[sflag:s16] =	ssyncadd.s32 $0xFFFFE000  }
0x36: {  	[spmem:s8] =	stream.linear.scatter [tilespmem:s29], [sflag:$0x2], $0x2000, $0x38;
	[tilespmem:$0x1E880] =	vst v63  }
0x37: {  	_ =	swait.ge [sflag:s16], $0x2000  }
0x38: {  	[sflag:s16] =	ssyncset.done $0x0  }
0x39: {  	[sflag:s16] =	ssyncadd.s32 $0xFFFFE000  }
0x3a: {  	[spmem:s9] =	stream.linear.scatter [tilespmem:s29], [sflag:$0x2], $0x2000, $0x38;
	[tilespmem:$0x1E880] =	vst v63  }
0x3b: {  	_ =	swait.ge [sflag:s16], $0x2000  }
0x3c: {  	[sflag:s16] =	ssyncset.done $0x0  }
0x3d: {  	[sflag:s16] =	ssyncadd.s32 $0xFFFFE000  }
0x3e: {  	[spmem:s10] =	stream.linear.scatter [tilespmem:s29], [sflag:$0x2], $0x2000, $0x38;
	[tilespmem:$0x1E880] =	vst v63  }
0x3f: {  	_ =	swait.ge [sflag:s16], $0x2000  }
0x40: {  	[sflag:s16] =	ssyncset.done $0x0  }
0x41: {  	[sflag:s16] =	ssyncadd.s32 $0xFFFFE000  }
0x42: {  	[spmem:s11] =	stream.linear.scatter [tilespmem:s29], [sflag:$0x2], $0x2000, $0x38;
	[tilespmem:$0x1E880] =	vst v63  }
0x43: {  	_ =	swait.ge [sflag:s16], $0x2000  }
0x44: {  	[sflag:s16] =	ssyncset.done $0x0  }
0x45: {  	[sflag:s16] =	ssyncadd.s32 $0xFFFFE000  }
0x46: {  	[spmem:s12] =	stream.linear.scatter [tilespmem:s29], [sflag:$0x2], $0x2000, $0x38;
	[tilespmem:$0x1E880] =	vst v63  }
0x47: {  	_ =	swait.ge [sflag:s16], $0x2000  }
0x48: {  	[sflag:s16] =	ssyncset.done $0x0  }
0x49: {  	[sflag:s16] =	ssyncadd.s32 $0xFFFFE000  }
0x4a: {  	_ =	swait.ge [sflag:s17], $0xC800  }
0x4b: {  	[sflag:s17] =	ssyncset.done $0x0  }
0x4c: {  	[sflag:s17] =	ssyncadd.s32 $0xFFFF3800  }
0x4d: {  	s30 =	simm.s32 $0x2080;
	[bflag:$0x0] =	sbarrier.arrive $0xFFFF  }
0x4e: {  	[spmem:s1] =	stream.indirect.scatter [tilespmem:s19], [sflag:$0x1], $0x1, s30, s18, $0xb8;
	[tilespmem:$0x1E880] =	vst v63  }
0x4f: {  	s31 =	simm.s32 $0x2100  }
0x50: {  	[spmem:s1] =	stream.indirect.scatter [tilespmem:s19], [sflag:$0x1], $0x1, s31, s18, $0xb8;
	[tilespmem:$0x1E880] =	vst v63  }
0x51: {  	s24 =	simm.s32 $0x2180  }
0x52: {  	[spmem:s1] =	stream.indirect.scatter [tilespmem:s19], [sflag:$0x1], $0x1, s24, s18, $0xb8;
	[tilespmem:$0x1E880] =	vst v63  }
0x53: {  	s25 =	simm.s32 $0x2200  }
0x54: {  	[spmem:s1] =	stream.indirect.scatter [tilespmem:s19], [sflag:$0x1], $0x1, s25, s18, $0xb8;
	[tilespmem:$0x1E880] =	vst v63  }
0x55: {  	s26 =	simm.s32 $0x2280  }
0x56: {  	[spmem:s1] =	stream.indirect.scatter [tilespmem:s19], [sflag:$0x1], $0x1, s26, s18, $0xb8;
	[tilespmem:$0x1E880] =	vst v63  }
0x57: {  	s28 =	simm.s32 $0x2300  }
0x58: {  	[spmem:s1] =	stream.indirect.scatter [tilespmem:s19], [sflag:$0x1], $0x1, s28, s18, $0xb8;
	[tilespmem:$0x1E880] =	vst v63  }
0x59: {  	s29 =	simm.s32 $0x2380  }
0x5a: {  	[spmem:s1] =	stream.indirect.scatter [tilespmem:s19], [sflag:$0x1], $0x1, s29, s18, $0xb8;
	[tilespmem:$0x1E880] =	vst v63  }
0x5b: {  	s30 =	simm.s32 $0x2400  }
0x5c: {  	[spmem:s1] =	stream.indirect.scatter [tilespmem:s19], [sflag:$0x1], $0x1, s30, s18, $0xb8;
	[tilespmem:$0x1E880] =	vst v63  }
0x5d: {  	s31 =	simm.s32 $0x2480  }
0x5e: {  	[spmem:s1] =	stream.indirect.scatter [tilespmem:s19], [sflag:$0x1], $0x1, s31, s18, $0xb8;
	[tilespmem:$0x1E880] =	vst v63  }
0x5f: {  	s24 =	simm.s32 $0x2500  }
0x60: {  	[spmem:s1] =	stream.indirect.scatter [tilespmem:s19], [sflag:$0x1], $0x1, s24, s18, $0xb8;
	[tilespmem:$0x1E880] =	vst v63  }
0x61: {  	s25 =	simm.s32 $0x2580  }
0x62: {  	[spmem:s1] =	stream.indirect.scatter [tilespmem:s19], [sflag:$0x1], $0x1, s25, s18, $0xb8;
	[tilespmem:$0x1E880] =	vst v63  }
0x63: {  	s26 =	simm.s32 $0x2600  }
0x64: {  	[spmem:s1] =	stream.indirect.scatter [tilespmem:s19], [sflag:$0x1], $0x1, s26, s18, $0xb8;
	[tilespmem:$0x1E880] =	vst v63  }
0x65: {  	s28 =	simm.s32 $0x2680  }
0x66: {  	[spmem:s1] =	stream.indirect.scatter [tilespmem:s19], [sflag:$0x1], $0x1, s28, s18, $0xb8;
	[tilespmem:$0x1E880] =	vst v63  }
0x67: {  	s29 =	simm.s32 $0x2700  }
0x68: {  	[spmem:s1] =	stream.indirect.scatter [tilespmem:s19], [sflag:$0x1], $0x1, s29, s18, $0xb8;
	[tilespmem:$0x1E880] =	vst v63  }
0x69: {  	s30 =	simm.s32 $0x2780  }
0x6a: {  	[spmem:s1] =	stream.indirect.scatter [tilespmem:s19], [sflag:$0x1], $0x1, s30, s18, $0xb8;
	[tilespmem:$0x1E880] =	vst v63  }
0x6b: {  	s31 =	simm.s32 $0x2800  }
0x6c: {  	[spmem:s1] =	stream.indirect.scatter [tilespmem:s19], [sflag:$0x1], $0x1, s31, s18, $0xb8;
	[tilespmem:$0x1E880] =	vst v63  }
0x6d: {  	_ =	swait.ge [sflag:s17], $0x80  }
0x6e: {  	[sflag:s17] =	ssyncset.done $0x0  }
0x6f: {  	[sflag:s17] =	ssyncadd.s32 $0xFFFFFF80  }
0x70: {  	_ =	swait.ge [sflag:s17], $0x80  }
0x71: {  	[sflag:s17] =	ssyncset.done $0x0  }
0x72: {  	[sflag:s17] =	ssyncadd.s32 $0xFFFFFF80  }
0x73: {  	_ =	swait.ge [sflag:s17], $0x80  }
0x74: {  	[sflag:s17] =	ssyncset.done $0x0  }
0x75: {  	[sflag:s17] =	ssyncadd.s32 $0xFFFFFF80  }
0x76: {  	_ =	swait.ge [sflag:s17], $0x80  }
0x77: {  	[sflag:s17] =	ssyncset.done $0x0  }
0x78: {  	[sflag:s17] =	ssyncadd.s32 $0xFFFFFF80  }
0x79: {  	_ =	swait.ge [sflag:s17], $0x80  }
0x7a: {  	[sflag:s17] =	ssyncset.done $0x0  }
0x7b: {  	[sflag:s17] =	ssyncadd.s32 $0xFFFFFF80  }
0x7c: {  	_ =	swait.ge [sflag:s17], $0x80  }
0x7d: {  	[sflag:s17] =	ssyncset.done $0x0  }
0x7e: {  	[sflag:s17] =	ssyncadd.s32 $0xFFFFFF80  }
0x7f: {  	_ =	swait.ge [sflag:s17], $0x80  }
0x80: {  	[sflag:s17] =	ssyncset.done $0x0  }
0x81: {  	[sflag:s17] =	ssyncadd.s32 $0xFFFFFF80  }
0x82: {  	_ =	swait.ge [sflag:s17], $0x80  }
0x83: {  	[sflag:s17] =	ssyncset.done $0x0  }
0x84: {  	[sflag:s17] =	ssyncadd.s32 $0xFFFFFF80  }
0x85: {  	_ =	swait.ge [sflag:s17], $0x80  }
0x86: {  	[sflag:s17] =	ssyncset.done $0x0  }
0x87: {  	[sflag:s17] =	ssyncadd.s32 $0xFFFFFF80  }
0x88: {  	_ =	swait.ge [sflag:s17], $0x80  }
0x89: {  	[sflag:s17] =	ssyncset.done $0x0  }
0x8a: {  	[sflag:s17] =	ssyncadd.s32 $0xFFFFFF80  }
0x8b: {  	_ =	swait.ge [sflag:s17], $0x80  }
0x8c: {  	[sflag:s17] =	ssyncset.done $0x0  }
0x8d: {  	[sflag:s17] =	ssyncadd.s32 $0xFFFFFF80  }
0x8e: {  	_ =	swait.ge [sflag:s17], $0x80  }
0x8f: {  	[sflag:s17] =	ssyncset.done $0x0  }
0x90: {  	[sflag:s17] =	ssyncadd.s32 $0xFFFFFF80  }
0x91: {  	_ =	swait.ge [sflag:s17], $0x80  }
0x92: {  	[sflag:s17] =	ssyncset.done $0x0  }
0x93: {  	[sflag:s17] =	ssyncadd.s32 $0xFFFFFF80  }
0x94: {  	_ =	swait.ge [sflag:s17], $0x80  }
0x95: {  	[sflag:s17] =	ssyncset.done $0x0  }
0x96: {  	[sflag:s17] =	ssyncadd.s32 $0xFFFFFF80  }
0x97: {  	_ =	swait.ge [sflag:s17], $0x80  }
0x98: {  	[sflag:s17] =	ssyncset.done $0x0  }
0x99: {  	[sflag:s17] =	ssyncadd.s32 $0xFFFFFF80  }
0x9a: {  	_ =	swait.ge [sflag:s17], $0x80  }
0x9b: {  	s25 =	simm.s32 $0x800;
	s26 =	simm.s32 $0x4000;
	[sflag:s17] =	ssyncset.done $0x0  }
.LBB2_4:
0x9c: {  	s28 =	sadd.s32 $0x2080, s25  }
0x9d: {  	[sflag:s17] =	ssyncadd.s32 $0xFFFFFF80;
	s24 =	smov.u32 s26;
	s23 =	sadd.s32 $0x2000, s26  }
0x9e: {  	[spmem:s1] =	stream.indirect.scatter [tilespmem:s19], [sflag:$0x1], $0x1, s28, s18, $0xb8;
	[tilespmem:$0x1E880] =	vst v63  }
0x9f: {  	p0 =	sne.s32 s26, $0x30000;
	s26 =	sadd.s32 $0x2100, s25  }
0xa0: {  	[spmem:s1] =	stream.indirect.scatter [tilespmem:s19], [sflag:$0x1], $0x1, s26, s18, $0xb8;
	[tilespmem:$0x1E880] =	vst v63  }
0xa1: {  	s26 =	sadd.s32 $0x2180, s25  }
0xa2: {  	[spmem:s1] =	stream.indirect.scatter [tilespmem:s19], [sflag:$0x1], $0x1, s26, s18, $0xb8;
	[tilespmem:$0x1E880] =	vst v63  }
0xa3: {  	s26 =	sadd.s32 $0x2200, s25  }
0xa4: {  	[spmem:s1] =	stream.indirect.scatter [tilespmem:s19], [sflag:$0x1], $0x1, s26, s18, $0xb8;
	[tilespmem:$0x1E880] =	vst v63  }
0xa5: {  	s26 =	sadd.s32 $0x2280, s25  }
0xa6: {  	[spmem:s1] =	stream.indirect.scatter [tilespmem:s19], [sflag:$0x1], $0x1, s26, s18, $0xb8;
	[tilespmem:$0x1E880] =	vst v63  }
0xa7: {  	s26 =	sadd.s32 $0x2300, s25  }
0xa8: {  	[spmem:s1] =	stream.indirect.scatter [tilespmem:s19], [sflag:$0x1], $0x1, s26, s18, $0xb8;
	[tilespmem:$0x1E880] =	vst v63  }
0xa9: {  	s26 =	sadd.s32 $0x2380, s25  }
0xaa: {  	[spmem:s1] =	stream.indirect.scatter [tilespmem:s19], [sflag:$0x1], $0x1, s26, s18, $0xb8;
	[tilespmem:$0x1E880] =	vst v63  }
0xab: {  	s26 =	sadd.s32 $0x2400, s25  }
0xac: {  	[spmem:s1] =	stream.indirect.scatter [tilespmem:s19], [sflag:$0x1], $0x1, s26, s18, $0xb8;
	[tilespmem:$0x1E880] =	vst v63  }
0xad: {  	s26 =	sadd.s32 $0x2480, s25  }
0xae: {  	[spmem:s1] =	stream.indirect.scatter [tilespmem:s19], [sflag:$0x1], $0x1, s26, s18, $0xb8;
	[tilespmem:$0x1E880] =	vst v63  }
0xaf: {  	s26 =	sadd.s32 $0x2500, s25  }
0xb0: {  	[spmem:s1] =	stream.indirect.scatter [tilespmem:s19], [sflag:$0x1], $0x1, s26, s18, $0xb8;
	[tilespmem:$0x1E880] =	vst v63  }
0xb1: {  	s26 =	sadd.s32 $0x2580, s25  }
0xb2: {  	[spmem:s1] =	stream.indirect.scatter [tilespmem:s19], [sflag:$0x1], $0x1, s26, s18, $0xb8;
	[tilespmem:$0x1E880] =	vst v63  }
0xb3: {  	s26 =	sadd.s32 $0x2600, s25  }
0xb4: {  	[spmem:s1] =	stream.indirect.scatter [tilespmem:s19], [sflag:$0x1], $0x1, s26, s18, $0xb8;
	[tilespmem:$0x1E880] =	vst v63  }
0xb5: {  	s26 =	sadd.s32 $0x2680, s25  }
0xb6: {  	[spmem:s1] =	stream.indirect.scatter [tilespmem:s19], [sflag:$0x1], $0x1, s26, s18, $0xb8;
	[tilespmem:$0x1E880] =	vst v63  }
0xb7: {  	s26 =	sadd.s32 $0x2700, s25  }
0xb8: {  	[spmem:s1] =	stream.indirect.scatter [tilespmem:s19], [sflag:$0x1], $0x1, s26, s18, $0xb8;
	[tilespmem:$0x1E880] =	vst v63  }
0xb9: {  	s26 =	sadd.s32 $0x2780, s25  }
0xba: {  	[spmem:s1] =	stream.indirect.scatter [tilespmem:s19], [sflag:$0x1], $0x1, s26, s18, $0xb8;
	[tilespmem:$0x1E880] =	vst v63  }
0xbb: {  	s25 =	sadd.s32 $0x2800, s25  }
0xbc: {  	[spmem:s1] =	stream.indirect.scatter [tilespmem:s19], [sflag:$0x1], $0x1, s25, s18, $0xb8;
	[tilespmem:$0x1E880] =	vst v63  }
0xbd: {  	_ =	swait.ge [sflag:s17], $0x80  }
0xbe: {  	[sflag:s17] =	ssyncset.done $0x0  }
0xbf: {  	[sflag:s17] =	ssyncadd.s32 $0xFFFFFF80  }
0xc0: {  	_ =	swait.ge [sflag:s17], $0x80  }
0xc1: {  	[sflag:s17] =	ssyncset.done $0x0  }
0xc2: {  	[sflag:s17] =	ssyncadd.s32 $0xFFFFFF80  }
0xc3: {  	_ =	swait.ge [sflag:s17], $0x80  }
0xc4: {  	[sflag:s17] =	ssyncset.done $0x0  }
0xc5: {  	[sflag:s17] =	ssyncadd.s32 $0xFFFFFF80  }
0xc6: {  	_ =	swait.ge [sflag:s17], $0x80  }
0xc7: {  	[sflag:s17] =	ssyncset.done $0x0  }
0xc8: {  	[sflag:s17] =	ssyncadd.s32 $0xFFFFFF80  }
0xc9: {  	_ =	swait.ge [sflag:s17], $0x80  }
0xca: {  	[sflag:s17] =	ssyncset.done $0x0  }
0xcb: {  	[sflag:s17] =	ssyncadd.s32 $0xFFFFFF80  }
0xcc: {  	_ =	swait.ge [sflag:s17], $0x80  }
0xcd: {  	[sflag:s17] =	ssyncset.done $0x0  }
0xce: {  	[sflag:s17] =	ssyncadd.s32 $0xFFFFFF80  }
0xcf: {  	_ =	swait.ge [sflag:s17], $0x80  }
0xd0: {  	[sflag:s17] =	ssyncset.done $0x0  }
0xd1: {  	[sflag:s17] =	ssyncadd.s32 $0xFFFFFF80  }
0xd2: {  	_ =	swait.ge [sflag:s17], $0x80  }
0xd3: {  	[sflag:s17] =	ssyncset.done $0x0  }
0xd4: {  	[sflag:s17] =	ssyncadd.s32 $0xFFFFFF80  }
0xd5: {  	_ =	swait.ge [sflag:s17], $0x80  }
0xd6: {  	[sflag:s17] =	ssyncset.done $0x0  }
0xd7: {  	[sflag:s17] =	ssyncadd.s32 $0xFFFFFF80  }
0xd8: {  	_ =	swait.ge [sflag:s17], $0x80  }
0xd9: {  	[sflag:s17] =	ssyncset.done $0x0  }
0xda: {  	[sflag:s17] =	ssyncadd.s32 $0xFFFFFF80  }
0xdb: {  	_ =	swait.ge [sflag:s17], $0x80  }
0xdc: {  	[sflag:s17] =	ssyncset.done $0x0  }
0xdd: {  	[sflag:s17] =	ssyncadd.s32 $0xFFFFFF80  }
0xde: {  	_ =	swait.ge [sflag:s17], $0x80  }
0xdf: {  	[sflag:s17] =	ssyncset.done $0x0  }
0xe0: {  	[sflag:s17] =	ssyncadd.s32 $0xFFFFFF80  }
0xe1: {  	_ =	swait.ge [sflag:s17], $0x80  }
0xe2: {  	[sflag:s17] =	ssyncset.done $0x0  }
0xe3: {  	[sflag:s17] =	ssyncadd.s32 $0xFFFFFF80  }
0xe4: {  	_ =	swait.ge [sflag:s17], $0x80  }
0xe5: {  	[sflag:s17] =	ssyncset.done $0x0  }
0xe6: {  	[sflag:s17] =	ssyncadd.s32 $0xFFFFFF80  }
.Ltmp1:
0xe7: {  	_ =	swait.ge [sflag:s17], $0x80;
	(pc) =	sbr.rel @p0 .LBB2_4-.Ltmp1, $4  }
0xe8: {  	[sflag:s17] =	ssyncset.done $0x0  }
0xe9: {  	[sflag:s17] =	ssyncadd.s32 $0xFFFFFF80  }
0xea: {  	_ =	swait.ge [sflag:s17], $0x80  }
0xeb: {  	s26 =	smov.u32 s23;
	s25 =	sshra.s32 s24, $0x2;
	[sflag:s17] =	ssyncset.done $0x0  }
0xec: {  	s23 =	sadd.s32 $0x2080, s25;
	[sflag:s17] =	ssyncadd.s32 $0xFFFFFF80  }
0xed: {  	[spmem:s1] =	stream.indirect.scatter [tilespmem:s19], [sflag:$0x1], $0x1, s23, s18, $0xb8;
	[tilespmem:$0x1E880] =	vst v63  }
0xee: {  	s29 =	sadd.s32 $0x2100, s25  }
0xef: {  	[spmem:s1] =	stream.indirect.scatter [tilespmem:s19], [sflag:$0x1], $0x1, s29, s18, $0xb8;
	[tilespmem:$0x1E880] =	vst v63  }
0xf0: {  	s30 =	sadd.s32 $0x2180, s25  }
0xf1: {  	[spmem:s1] =	stream.indirect.scatter [tilespmem:s19], [sflag:$0x1], $0x1, s30, s18, $0xb8;
	[tilespmem:$0x1E880] =	vst v63  }
0xf2: {  	s31 =	sadd.s32 $0x2200, s25  }
0xf3: {  	[spmem:s1] =	stream.indirect.scatter [tilespmem:s19], [sflag:$0x1], $0x1, s31, s18, $0xb8;
	[tilespmem:$0x1E880] =	vst v63  }
0xf4: {  	s24 =	sadd.s32 $0x2280, s25  }
0xf5: {  	[spmem:s1] =	stream.indirect.scatter [tilespmem:s19], [sflag:$0x1], $0x1, s24, s18, $0xb8;
	[tilespmem:$0x1E880] =	vst v63  }
0xf6: {  	s26 =	sadd.s32 $0x2300, s25  }
0xf7: {  	[spmem:s1] =	stream.indirect.scatter [tilespmem:s19], [sflag:$0x1], $0x1, s26, s18, $0xb8;
	[tilespmem:$0x1E880] =	vst v63  }
0xf8: {  	s28 =	sadd.s32 $0x2380, s25  }
0xf9: {  	[spmem:s1] =	stream.indirect.scatter [tilespmem:s19], [sflag:$0x1], $0x1, s28, s18, $0xb8;
	[tilespmem:$0x1E880] =	vst v63  }
0xfa: {  	s29 =	sadd.s32 $0x2400, s25  }
0xfb: {  	[spmem:s1] =	stream.indirect.scatter [tilespmem:s19], [sflag:$0x1], $0x1, s29, s18, $0xb8;
	[tilespmem:$0x1E880] =	vst v63  }
0xfc: {  	s30 =	sadd.s32 $0x2480, s25  }
0xfd: {  	[spmem:s1] =	stream.indirect.scatter [tilespmem:s19], [sflag:$0x1], $0x1, s30, s18, $0xb8;
	[tilespmem:$0x1E880] =	vst v63  }
0xfe: {  	s31 =	sadd.s32 $0x2500, s25  }
0xff: {  	[spmem:s1] =	stream.indirect.scatter [tilespmem:s19], [sflag:$0x1], $0x1, s31, s18, $0xb8;
	[tilespmem:$0x1E880] =	vst v63  }
0x100: {  	s24 =	sadd.s32 $0x2580, s25  }
0x101: {  	[spmem:s1] =	stream.indirect.scatter [tilespmem:s19], [sflag:$0x1], $0x1, s24, s18, $0xb8;
	[tilespmem:$0x1E880] =	vst v63  }
0x102: {  	s26 =	sadd.s32 $0x2600, s25  }
0x103: {  	[spmem:s1] =	stream.indirect.scatter [tilespmem:s19], [sflag:$0x1], $0x1, s26, s18, $0xb8;
	[tilespmem:$0x1E880] =	vst v63  }
0x104: {  	s28 =	sadd.s32 $0x2680, s25  }
0x105: {  	[spmem:s1] =	stream.indirect.scatter [tilespmem:s19], [sflag:$0x1], $0x1, s28, s18, $0xb8;
	[tilespmem:$0x1E880] =	vst v63  }
0x106: {  	s29 =	sadd.s32 $0x2700, s25  }
0x107: {  	[spmem:s1] =	stream.indirect.scatter [tilespmem:s19], [sflag:$0x1], $0x1, s29, s18, $0xb8;
	[tilespmem:$0x1E880] =	vst v63  }
0x108: {  	s30 =	sadd.s32 $0x2780, s25  }
0x109: {  	[spmem:s1] =	stream.indirect.scatter [tilespmem:s19], [sflag:$0x1], $0x1, s30, s18, $0xb8;
	[tilespmem:$0x1E880] =	vst v63  }
0x10a: {  	s31 =	sadd.s32 $0x2800, s25  }
0x10b: {  	[spmem:s1] =	stream.indirect.scatter [tilespmem:s19], [sflag:$0x1], $0x1, s31, s18, $0xb8;
	[tilespmem:$0x1E880] =	vst v63  }
0x10c: {  	_ =	swait.ge [sflag:s17], $0x80  }
0x10d: {  	[sflag:s17] =	ssyncset.done $0x0  }
0x10e: {  	[sflag:s17] =	ssyncadd.s32 $0xFFFFFF80  }
0x10f: {  	_ =	swait.ge [sflag:s17], $0x80  }
0x110: {  	[sflag:s17] =	ssyncset.done $0x0  }
0x111: {  	[sflag:s17] =	ssyncadd.s32 $0xFFFFFF80  }
0x112: {  	_ =	swait.ge [sflag:s17], $0x80  }
0x113: {  	[sflag:s17] =	ssyncset.done $0x0  }
0x114: {  	[sflag:s17] =	ssyncadd.s32 $0xFFFFFF80  }
0x115: {  	_ =	swait.ge [sflag:s17], $0x80  }
0x116: {  	[sflag:s17] =	ssyncset.done $0x0  }
0x117: {  	[sflag:s17] =	ssyncadd.s32 $0xFFFFFF80  }
0x118: {  	_ =	swait.ge [sflag:s17], $0x80  }
0x119: {  	[sflag:s17] =	ssyncset.done $0x0  }
0x11a: {  	[sflag:s17] =	ssyncadd.s32 $0xFFFFFF80  }
0x11b: {  	_ =	swait.ge [sflag:s17], $0x80  }
0x11c: {  	[sflag:s17] =	ssyncset.done $0x0  }
0x11d: {  	[sflag:s17] =	ssyncadd.s32 $0xFFFFFF80  }
0x11e: {  	_ =	swait.ge [sflag:s17], $0x80  }
0x11f: {  	[sflag:s17] =	ssyncset.done $0x0  }
0x120: {  	[sflag:s17] =	ssyncadd.s32 $0xFFFFFF80  }
0x121: {  	_ =	swait.ge [sflag:s17], $0x80  }
0x122: {  	[sflag:s17] =	ssyncset.done $0x0  }
0x123: {  	[sflag:s17] =	ssyncadd.s32 $0xFFFFFF80  }
0x124: {  	_ =	swait.ge [sflag:s17], $0x80  }
0x125: {  	[sflag:s17] =	ssyncset.done $0x0  }
0x126: {  	[sflag:s17] =	ssyncadd.s32 $0xFFFFFF80  }
0x127: {  	_ =	swait.ge [sflag:s17], $0x80  }
0x128: {  	[sflag:s17] =	ssyncset.done $0x0  }
0x129: {  	[sflag:s17] =	ssyncadd.s32 $0xFFFFFF80  }
0x12a: {  	_ =	swait.ge [sflag:s17], $0x80  }
0x12b: {  	[sflag:s17] =	ssyncset.done $0x0  }
0x12c: {  	[sflag:s17] =	ssyncadd.s32 $0xFFFFFF80  }
0x12d: {  	_ =	swait.ge [sflag:s17], $0x80  }
0x12e: {  	[sflag:s17] =	ssyncset.done $0x0  }
0x12f: {  	[sflag:s17] =	ssyncadd.s32 $0xFFFFFF80  }
0x130: {  	_ =	swait.ge [sflag:s17], $0x80  }
0x131: {  	[sflag:s17] =	ssyncset.done $0x0  }
0x132: {  	[sflag:s17] =	ssyncadd.s32 $0xFFFFFF80  }
0x133: {  	_ =	swait.ge [sflag:s17], $0x80  }
0x134: {  	[sflag:s17] =	ssyncset.done $0x0  }
0x135: {  	[sflag:s17] =	ssyncadd.s32 $0xFFFFFF80  }
0x136: {  	_ =	swait.ge [sflag:s17], $0x80  }
0x137: {  	[sflag:s17] =	ssyncset.done $0x0  }
0x138: {  	[sflag:s17] =	ssyncadd.s32 $0xFFFFFF80  }
0x139: {  	_ =	swait.ge [sflag:s17], $0x80  }
0x13a: {  	s22 =	sadd.s32 $0x1, s22;
	[sflag:s17] =	ssyncset.done $0x0  }
0x13b: {  	p0 =	sne.s32 s22, s14;
	[sflag:s17] =	ssyncadd.s32 $0xFFFFFF80  }
.Ltmp2:
0x13c: {  	[bflag:$0x0] =	sbarrier.arrive $0xFFFF;
	(pc) =	sbr.rel @p0 .LBB2_1-.Ltmp2, $4  }
0x13d: {  	[hbm:s13], [sflag:s20] =	dma.local [spmem:s21], $0x2000  }
0x13e: {  	_ =	swait.ge [sflag:s16], $0x2000  }
0x13f: {  	[sflag:s16] =	ssyncset.done $0x0  }
0x140: {  	[sflag:s16] =	ssyncadd.s32 $0xFFFFE000  }
0x141: {  	_ =	sfence.sel $0x180000  }
0x142: {  	[bflag:$0x0] =	sbarrier.arrive $0xFFFF  }
0x143: {  	p0 =	sne.s32 s2, $0x0;
	_ =	strace $0x90000047  }
0x144: {  	s0 =	sadd.s32 @!p0 $0x100000, s0;
	[bflag:$0x2] =	sbarrier.arrive $0xFFFF  }
0x145: {  	[sflag:s0] =	ssyncadd.tile.s32 @!p0 $0x1;
	_ =	shalt  }
.Lfunc_end2:
_tile_overlayer_lowered:
.L_overlay_start_2:
0x146: {  	(tag) =	ssettag $0x2  }
0x147: {  	s0 =	rddreg [dreg:$0x0];
	s2 =	stileid.u32  }
0x148: {  	s1 =	rddreg [dreg:$0x1];
	p0 =	sne.s32 s2, $0x0  }
0x149: {  	s3 =	rddreg [dreg:$0x2];
	[bflag:$0x3] =	sbarrier.arrive $0xFFFF;
	s2 =	simm.s32 @!p0 $0x1C02  }
0x14a: {  	[timem:s3], [sflag:s2] =	dma.local @!p0 [hbm:s0], s1  }
0x14b: {  	s0 =	simm.s32 @!p0 $0x2  }
0x14c: {  	_ =	swait.ge @!p0 [sflag:s0], s1  }
0x14d: {  	s1 =	ssub.s32 @!p0 $0x0, s1;
	[sflag:s0] =	ssyncset.done @!p0 $0x0  }
0x14e: {  	[sflag:s0] =	ssyncadd.s32 @!p0 s1  }
0x14f: {  	[bflag:$0x3] =	sbarrier.arrive $0xFFFF  }
0x150: {  	_ =	shalt  }

</sc_bundles>
